<compile_context>
chip_gen: v7x
topology: tpu7x:2x2x1
jax: 0.10.2.dev20260603
libtpu: 0.0.44.dev20260713+nightly
codegen_flags: <defaults>
</compile_context>

<pallas_src>
import functools

import jax
import jax.numpy as jnp
from jax import lax
from jax.experimental import pallas as pl
from jax.experimental.pallas import tpu as pltpu
from jax.experimental.pallas import tpu_sc as plsc

G = 64
NC = 2
NS = 16
CH = 128
PK = 8
NB = 2048
LGNB = 11


def _make_proj(n, h_dim):
    def proj_body(x_ref, wrel_ref, wroot_ref, yrelp_ref, yrootp_ref):
        x = x_ref[...]
        for b in range(PK):
            lo = b * NB
            rows = min(max(n - lo, 0), NB)
            sl = slice(b * h_dim, (b + 1) * h_dim)
            if rows == 0:
                yrelp_ref[:, sl] = jnp.zeros((NB, h_dim), jnp.float32)
                yrootp_ref[:, sl] = jnp.zeros((NB, h_dim), jnp.float32)
                continue
            xb = x[lo:lo + rows]
            yrel = jnp.dot(xb, wrel_ref[...], preferred_element_type=jnp.float32)
            yroot = jnp.dot(xb, wroot_ref[...], preferred_element_type=jnp.float32)
            if rows < NB:
                pad = jnp.zeros((NB - rows, h_dim), jnp.float32)
                yrel = jnp.concatenate([yrel, pad], axis=0)
                yroot = jnp.concatenate([yroot, pad], axis=0)
            yrelp_ref[:, sl] = yrel
            yrootp_ref[:, sl] = yroot
    return proj_body


def _make_edge_agg(n_acc, chunks, tail):
    rows_per_tile_acc = n_acc // NS
    mesh = plsc.VectorSubcoreMesh(core_axis_name="c", subcore_axis_name="s")

    @functools.partial(
        pl.kernel,
        out_type=jax.ShapeDtypeStruct((NC * n_acc, 16), jnp.float32),
        mesh=mesh,
        compiler_params=pltpu.CompilerParams(use_tc_tiling_on_sc=False),
        scratch_types=[
            pltpu.VMEM((chunks + 1, CH), jnp.int32),
            pltpu.VMEM((chunks + 1, CH), jnp.int32),
            pltpu.VMEM((CH, 16), jnp.float32),
            pltpu.VMEM((CH, 16), jnp.float32),
            pltpu.VMEM((rows_per_tile_acc, 16), jnp.float32),
            pltpu.VMEM_SHARED((n_acc, 16), jnp.float32),
            pltpu.VMEM_SHARED((n_acc, 16), jnp.float32),
            pltpu.SemaphoreType.DMA,
            pltpu.SemaphoreType.DMA,
        ],
    )
    def edge_agg(yrel_hbm, edge_hbm, out_hbm,
                 src_v, dst_v, buf0_v, buf1_v, stage_v, acc_sh, tbl_sh,
                 gsem0, gsem1):
        c = lax.axis_index("c")
        s = lax.axis_index("s")
        w = s * NC + c

        row0 = s * rows_per_tile_acc
        pltpu.sync_copy(yrel_hbm.at[pl.ds(row0, rows_per_tile_acc)],
                        tbl_sh.at[pl.ds(row0, rows_per_tile_acc)])

        def zbody(i, carry):
            stage_v[i] = jnp.zeros((16,), jnp.float32)
            return carry
        lax.fori_loop(0, rows_per_tile_acc, zbody, 0)
        pltpu.sync_copy(stage_v, acc_sh.at[pl.ds(row0, rows_per_tile_acc)])
        plsc.subcore_barrier()

        pltpu.sync_copy(edge_hbm.at[0, pl.ds(w * chunks, chunks)],
                        src_v.at[pl.ds(0, chunks)])
        pltpu.sync_copy(edge_hbm.at[1, pl.ds(w * chunks, chunks)],
                        dst_v.at[pl.ds(0, chunks)])
        if tail:
            @pl.when(w < tail)
            def _stage_tail():
                pltpu.sync_copy(
                    edge_hbm.at[0, pl.ds(NC * NS * chunks + w, 1)],
                    src_v.at[pl.ds(chunks, 1)])
                pltpu.sync_copy(
                    edge_hbm.at[1, pl.ds(NC * NS * chunks + w, 1)],
                    dst_v.at[pl.ds(chunks, 1)])

        bufs = (buf0_v, buf1_v)
        sems = (gsem0, gsem1)

        def _wait_gather(b):
            pltpu.make_async_copy(yrel_hbm.at[pl.ds(0, CH)], bufs[b],
                                  sems[b]).wait()

        pltpu.async_copy(tbl_sh.at[src_v.at[0]], buf0_v, gsem0)

        def round_body(g, carry):
            for b in range(2):
                j = 2 * g + b
                _wait_gather(b)

                @pl.when(j + 1 < chunks)
                def _prefetch():
                    pltpu.async_copy(tbl_sh.at[src_v.at[j + 1]],
                                     bufs[1 - b], sems[1 - b])
                pltpu.sync_copy(bufs[b], acc_sh.at[dst_v.at[j]], add=True)
            return carry
        lax.fori_loop(0, chunks // 2, round_body, 0)
        if chunks % 2:
            _wait_gather(0)
            pltpu.sync_copy(buf0_v, acc_sh.at[dst_v.at[chunks - 1]], add=True)
        if tail:
            @pl.when(w < tail)
            def _do_tail():
                pltpu.sync_copy(tbl_sh.at[src_v.at[chunks]], buf0_v)
                pltpu.sync_copy(buf0_v, acc_sh.at[dst_v.at[chunks]], add=True)
        plsc.subcore_barrier()

        pltpu.sync_copy(acc_sh.at[pl.ds(row0, rows_per_tile_acc)], stage_v)
        pltpu.sync_copy(stage_v,
                        out_hbm.at[pl.ds(c * n_acc + row0, rows_per_tile_acc)])

    return edge_agg


def _make_finish(h_dim):
    def finish_body(partsp_ref, yrootp_ref, batchp_ref, brel_ref, wlin_ref,
                    blin_ref, out_ref):
        p = partsp_ref[...]
        hp = p[:NB] + p[NB:] + yrootp_ref[...] + brel_ref[...]
        hp = jnp.maximum(hp, 0.0)
        gids = lax.broadcasted_iota(jnp.int32, (G, 1), 0)
        batchp = batchp_ref[...]
        pooled = jnp.zeros((G, h_dim), jnp.float32)
        cnt = jnp.zeros((G, 1), jnp.float32)
        for b in range(PK):
            onehot = (batchp[b:b + 1, :] == gids).astype(jnp.float32)
            pooled = pooled + lax.dot_general(
                onehot, hp[:, b * h_dim:(b + 1) * h_dim],
                (((1,), (0,)), ((), ())))
            cnt = cnt + jnp.sum(onehot, axis=1, keepdims=True)
        pooled = jnp.maximum(pooled / jnp.maximum(cnt, 1.0), 0.0)
        out_ref[...] = (jnp.dot(pooled, wlin_ref[...],
                                preferred_element_type=jnp.float32)
                        + blin_ref[...])
    return finish_body


def kernel(x, edge_index, batch, W_rel, b_rel, W_root, W_lin, b_lin):
    n, d = x.shape
    e = edge_index.shape[1]
    h_dim = W_rel.shape[0]
    c_dim = W_lin.shape[0]

    n_acc = PK * NB

    yrelp, yrootp = pl.pallas_call(
        _make_proj(n, h_dim),
        out_shape=[jax.ShapeDtypeStruct((NB, PK * h_dim), jnp.float32),
                   jax.ShapeDtypeStruct((NB, PK * h_dim), jnp.float32)],
    )(x, W_rel.T, W_root.T)

    ec = edge_index
    if e % CH != 0:
        pad = CH - e % CH
        ec = jnp.concatenate(
            [ec, jnp.stack([jnp.zeros((pad,), jnp.int32),
                            jnp.full((pad,), n, jnp.int32)])], axis=1)
    ep = jnp.bitwise_or(jnp.left_shift(jnp.bitwise_and(ec, NB - 1), 3),
                        jnp.right_shift(ec, LGNB))
    total_chunks = ep.shape[1] // CH
    chunks = total_chunks // (NC * NS)
    tail = total_chunks - NC * NS * chunks
    edge3 = ep.reshape(2, total_chunks, CH)
    parts = _make_edge_agg(n_acc, chunks, tail)(
        yrelp.reshape(n_acc, h_dim), edge3)

    batchp = jnp.pad(batch, (0, n_acc - n),
                     constant_values=G).reshape(PK, NB)
    out = pl.pallas_call(
        _make_finish(h_dim),
        out_shape=jax.ShapeDtypeStruct((G, c_dim), jnp.float32),
    )(parts.reshape(2 * NB, PK * h_dim), yrootp, batchp,
      jnp.tile(b_rel, PK).reshape(1, PK * h_dim),
      W_lin.T, b_lin.reshape(1, c_dim))
    return out

# --- scband reference (transcript-rebuilt; emitter-appended) ---
"""Pipeline reference for scband-graph-gnn-35845797053146 (READ-ONLY COPY).

The authoritative reference and input builder live on the scoring server;
editing this copy changes nothing except your own understanding.
"""

import jax, jax.numpy as jnp
import numpy as np

N = 10000
E = 320000
D = 128
H = 16
C = 10
G = 64


def setup_inputs(seed: int = 0) -> dict:
    key = jax.random.key(seed)
    ks = jax.random.split(key, 8)
    x = jax.random.normal(ks[0], (N, D), dtype=jnp.float32)
    edge_index = jax.random.randint(ks[1], (2, E), 0, N, dtype=jnp.int32)
    batch = jnp.sort(jax.random.randint(ks[2], (N,), 0, G, dtype=jnp.int32))
    # GraphConv (PyG): lin_rel (with bias) applied to aggregated neighbors, lin_root (no bias) to self
    W_rel = jax.random.normal(ks[3], (H, D), dtype=jnp.float32) * 0.05
    b_rel = jnp.zeros((H,), dtype=jnp.float32)
    W_root = jax.random.normal(ks[4], (H, D), dtype=jnp.float32) * 0.05
    W_lin = jax.random.normal(ks[5], (C, H), dtype=jnp.float32) * 0.1
    b_lin = jnp.zeros((C,), dtype=jnp.float32)
    return {"x": x, "edge_index": edge_index, "batch": batch,
            "W_rel": W_rel, "b_rel": b_rel, "W_root": W_root,
            "W_lin": W_lin, "b_lin": b_lin}


def reference(x, edge_index, batch, W_rel, b_rel, W_root, W_lin, b_lin):
    # GraphConv layer: x_i' = W_root x_i + W_rel * sum_{j->i} x_j + b_rel
    src = edge_index[0]
    dst = edge_index[1]
    agg = jax.ops.segment_sum(x[src], dst, num_segments=N)  # gather + scatter-add
    h = agg @ W_rel.T + b_rel + x @ W_root.T
    h = jax.nn.relu(h)
    # dropout is identity in eval mode
    # global_mean_pool over batch ids
    ones = jnp.ones((N,), dtype=h.dtype)
    cnt = jax.ops.segment_sum(ones, batch, num_segments=G)
    pooled = jax.ops.segment_sum(h, batch, num_segments=G) / jnp.maximum(cnt, 1.0)[:, None]
    pooled = jax.nn.relu(pooled)
    out = pooled @ W_lin.T + b_lin
    return out

if __name__ == "__main__":
    import jax
    _d = setup_inputs()
    print(jax.jit(kernel)(*tuple(_d.values())))

</pallas_src>

<mosaic_0001>
#map = affine_map<(d0, d1) -> (0, 0)>
#map1 = affine_map<(d0, d1) -> (0, 0, 0)>
module attributes {stable_mosaic.version = 14 : i64} {
  func.func @edge_agg(%arg0: i32, %arg1: i32, %arg2: memref<16384x16xf32, #tpu.memory_space<hbm>>, %arg3: memref<2x2500x128xi32, #tpu.memory_space<hbm>>, %arg4: memref<32768x16xf32, #tpu.memory_space<hbm>>, %arg5: memref<79x128xi32, #tpu.memory_space<vmem>>, %arg6: memref<79x128xi32, #tpu.memory_space<vmem>>, %arg7: memref<128x16xf32, #tpu.memory_space<vmem>>, %arg8: memref<128x16xf32, #tpu.memory_space<vmem>>, %arg9: memref<1024x16xf32, #tpu.memory_space<vmem>>, %arg10: memref<16384x16xf32, #tpu.memory_space<vmem_shared>>, %arg11: memref<16384x16xf32, #tpu.memory_space<vmem_shared>>, %arg12: memref<!tpu.dma_semaphore, #tpu.memory_space<semaphore_mem>>, %arg13: memref<!tpu.dma_semaphore, #tpu.memory_space<semaphore_mem>>) attributes {dimension_semantics = [#tpu.dimension_semantics<core_parallel>, #tpu.dimension_semantics<subcore_parallel>], iteration_bounds = array<i64: 2, 16>, scalar_prefetch = 0 : i64, scratch_operands = 9 : i64, tpu.core_type = #tpu.core_type<sc_vector_subcore>, window_params = [{transform_indices = #map}, {transform_indices = #map1}, {transform_indices = #map}]} {
    %mul3A = arith.constant 2 : i32
    %mul3A_0 = arith.muli %arg1, %mul3A : i32
    %add3A = arith.addi %mul3A_0, %arg0 : i32
    %mul3A_1 = arith.constant 1024 : i32
    %mul3A_2 = arith.muli %arg1, %mul3A_1 : i32
    "tpu.region"() ({
      %run_scoped3A_36 = tpu.sem_alloc : memref<!tpu.dma_semaphore, #tpu.memory_space<semaphore_mem>>
      %dma_start3A_37 = arith.constant 0 : i32
      %dma_start3A_38 = tpu.memref_slice %arg11[%mul3A_2, %dma_start3A_37] : memref<16384x16xf32, #tpu.memory_space<vmem_shared>> -> memref<1024x16xf32, #tpu.memory_space<vmem_shared>>
      %dma_start3A_39 = arith.constant 0 : i32
      %dma_start3A_40 = tpu.memref_slice %arg2[%mul3A_2, %dma_start3A_39] : memref<16384x16xf32, #tpu.memory_space<hbm>> -> memref<1024x16xf32, #tpu.memory_space<hbm>>
      tpu.enqueue_dma source(%dma_start3A_40 : memref<1024x16xf32, #tpu.memory_space<hbm>>) target(%dma_start3A_38 : memref<1024x16xf32, #tpu.memory_space<vmem_shared>>) target_semaphore(%run_scoped3A_36 : memref<!tpu.dma_semaphore, #tpu.memory_space<semaphore_mem>>)
      %dma_wait3A = arith.constant 0 : i32
      %dma_wait3A_41 = tpu.memref_slice %arg11[%mul3A_2, %dma_wait3A] : memref<16384x16xf32, #tpu.memory_space<vmem_shared>> -> memref<1024x16xf32, #tpu.memory_space<vmem_shared>>
      %dma_wait3A_42 = arith.constant 0 : i32
      %dma_wait3A_43 = tpu.memref_slice %arg2[%mul3A_2, %dma_wait3A_42] : memref<16384x16xf32, #tpu.memory_space<hbm>> -> memref<1024x16xf32, #tpu.memory_space<hbm>>
      tpu.wait_dma2 semaphore(%run_scoped3A_36 : memref<!tpu.dma_semaphore, #tpu.memory_space<semaphore_mem>>) src(%dma_wait3A_43 : memref<1024x16xf32, #tpu.memory_space<hbm>>) dst(%dma_wait3A_41 : memref<1024x16xf32, #tpu.memory_space<vmem_shared>>)
      tpu.yield
    }) : () -> ()
    %scan3A = arith.constant 0 : i32
    %scan3A_3 = arith.constant 0 : i32
    %scan3A_4 = arith.constant 1024 : i32
    %scan3A_5 = arith.addi %scan3A_3, %scan3A_4 : i32
    %scan3A_6 = arith.constant 1 : i32
    scf.for %scan3A_36 = %scan3A_3 to %scan3A_5 step %scan3A_6  : i32 {
      %broadcast_in_dim3A = arith.constant 0.000000e+00 : f32
      %broadcast_in_dim3A_37 = vector.broadcast %broadcast_in_dim3A : f32 to vector<16xf32>
      %swap3A = arith.index_cast %scan3A_36 : i32 to index
      %swap3A_38 = arith.constant 0 : index
      %swap3A_39 = tpu.vector_load %arg9[%swap3A, %swap3A_38] {strides = array<i32>} : memref<1024x16xf32, #tpu.memory_space<vmem>>, vector<1x16xf32>,
      %swap3A_40 = vector.shape_cast %swap3A_39 : vector<1x16xf32> to vector<16xf32>
      %swap3A_41 = vector.shape_cast %broadcast_in_dim3A_37 : vector<16xf32> to vector<1x16xf32>
      tpu.vector_store %arg9[%swap3A, %swap3A_38], %swap3A_41 {strides = array<i32>} : memref<1024x16xf32, #tpu.memory_space<vmem>>, vector<1x16xf32>,
    }
    %scan3A_7 = arith.constant 1024 : i32
    "tpu.region"() ({
      %run_scoped3A_36 = tpu.sem_alloc : memref<!tpu.dma_semaphore, #tpu.memory_space<semaphore_mem>>
      %dma_start3A_37 = arith.constant 0 : i32
      %dma_start3A_38 = tpu.memref_slice %arg10[%mul3A_2, %dma_start3A_37] : memref<16384x16xf32, #tpu.memory_space<vmem_shared>> -> memref<1024x16xf32, #tpu.memory_space<vmem_shared>>
      %dma_start3A_39 = arith.constant 0 : i32
      %dma_start3A_40 = tpu.memref_slice %arg10[%mul3A_2, %dma_start3A_39] : memref<16384x16xf32, #tpu.memory_space<vmem_shared>> -> memref<1024x16xf32, #tpu.memory_space<vmem_shared>>
      tpu.enqueue_dma source(%arg9 : memref<1024x16xf32, #tpu.memory_space<vmem>>) target(%dma_start3A_40 : memref<1024x16xf32, #tpu.memory_space<vmem_shared>>) target_semaphore(%run_scoped3A_36 : memref<!tpu.dma_semaphore, #tpu.memory_space<semaphore_mem>>)
      %dma_wait3A = arith.constant 0 : i32
      %dma_wait3A_41 = tpu.memref_slice %arg10[%mul3A_2, %dma_wait3A] : memref<16384x16xf32, #tpu.memory_space<vmem_shared>> -> memref<1024x16xf32, #tpu.memory_space<vmem_shared>>
      %dma_wait3A_42 = arith.constant 0 : i32
      %dma_wait3A_43 = tpu.memref_slice %arg10[%mul3A_2, %dma_wait3A_42] : memref<16384x16xf32, #tpu.memory_space<vmem_shared>> -> memref<1024x16xf32, #tpu.memory_space<vmem_shared>>
      tpu.wait_dma2 semaphore(%run_scoped3A_36 : memref<!tpu.dma_semaphore, #tpu.memory_space<semaphore_mem>>) src(%arg9 : memref<1024x16xf32, #tpu.memory_space<vmem>>) dst(%dma_wait3A_43 : memref<1024x16xf32, #tpu.memory_space<vmem_shared>>)
      tpu.yield
    }) : () -> ()
    %barrier3A = arith.constant 0 : index
    tpu.barrier barrier_id(%barrier3A)
    %mul3A_8 = arith.constant 78 : i32
    %mul3A_9 = arith.muli %add3A, %mul3A_8 : i32
    %run_scoped3A = arith.constant 0 : i32
    "tpu.region"() ({
      %run_scoped3A_36 = tpu.sem_alloc : memref<!tpu.dma_semaphore, #tpu.memory_space<semaphore_mem>>
      %dma_start3A_37 = arith.constant 0 : i32
      %dma_start3A_38 = arith.constant 0 : i32
      %dma_start3A_39 = tpu.memref_slice %arg5[%dma_start3A_37, %dma_start3A_38] : memref<79x128xi32, #tpu.memory_space<vmem>> -> memref<78x128xi32, #tpu.memory_space<vmem>>
      %dma_start3A_40 = arith.constant 0 : i32
      %dma_start3A_41 = tpu.memref_slice %arg3[%run_scoped3A, %mul3A_9, %dma_start3A_40] : memref<2x2500x128xi32, #tpu.memory_space<hbm>> -> memref<1x78x128xi32, #tpu.memory_space<hbm>>
      %dma_start3A_42 = tpu.memref_squeeze %dma_start3A_41 : memref<1x78x128xi32, #tpu.memory_space<hbm>> -> memref<78x128xi32, #tpu.memory_space<hbm>>
      %dma_start3A_43 = arith.constant 0 : i32
      %dma_start3A_44 = arith.constant 0 : i32
      %dma_start3A_45 = tpu.memref_slice %arg5[%dma_start3A_43, %dma_start3A_44] : memref<79x128xi32, #tpu.memory_space<vmem>> -> memref<78x128xi32, #tpu.memory_space<vmem>>
      %dma_start3A_46 = arith.constant 0 : i32
      %dma_start3A_47 = tpu.memref_slice %arg3[%run_scoped3A, %mul3A_9, %dma_start3A_46] : memref<2x2500x128xi32, #tpu.memory_space<hbm>> -> memref<1x78x128xi32, #tpu.memory_space<hbm>>
      %dma_start3A_48 = tpu.memref_squeeze %dma_start3A_47 : memref<1x78x128xi32, #tpu.memory_space<hbm>> -> memref<78x128xi32, #tpu.memory_space<hbm>>
      tpu.enqueue_dma source(%dma_start3A_48 : memref<78x128xi32, #tpu.memory_space<hbm>>) target(%dma_start3A_45 : memref<78x128xi32, #tpu.memory_space<vmem>>) target_semaphore(%run_scoped3A_36 : memref<!tpu.dma_semaphore, #tpu.memory_space<semaphore_mem>>)
      %dma_wait3A = arith.constant 0 : i32
      %dma_wait3A_49 = arith.constant 0 : i32
      %dma_wait3A_50 = tpu.memref_slice %arg5[%dma_wait3A, %dma_wait3A_49] : memref<79x128xi32, #tpu.memory_space<vmem>> -> memref<78x128xi32, #tpu.memory_space<vmem>>
      %dma_wait3A_51 = arith.constant 0 : i32
      %dma_wait3A_52 = tpu.memref_slice %arg3[%run_scoped3A, %mul3A_9, %dma_wait3A_51] : memref<2x2500x128xi32, #tpu.memory_space<hbm>> -> memref<1x78x128xi32, #tpu.memory_space<hbm>>
      %dma_wait3A_53 = tpu.memref_squeeze %dma_wait3A_52 : memref<1x78x128xi32, #tpu.memory_space<hbm>> -> memref<78x128xi32, #tpu.memory_space<hbm>>
      %dma_wait3A_54 = arith.constant 0 : i32
      %dma_wait3A_55 = arith.constant 0 : i32
      %dma_wait3A_56 = tpu.memref_slice %arg5[%dma_wait3A_54, %dma_wait3A_55] : memref<79x128xi32, #tpu.memory_space<vmem>> -> memref<78x128xi32, #tpu.memory_space<vmem>>
      %dma_wait3A_57 = arith.constant 0 : i32
      %dma_wait3A_58 = tpu.memref_slice %arg3[%run_scoped3A, %mul3A_9, %dma_wait3A_57] : memref<2x2500x128xi32, #tpu.memory_space<hbm>> -> memref<1x78x128xi32, #tpu.memory_space<hbm>>
      %dma_wait3A_59 = tpu.memref_squeeze %dma_wait3A_58 : memref<1x78x128xi32, #tpu.memory_space<hbm>> -> memref<78x128xi32, #tpu.memory_space<hbm>>
      tpu.wait_dma2 semaphore(%run_scoped3A_36 : memref<!tpu.dma_semaphore, #tpu.memory_space<semaphore_mem>>) src(%dma_wait3A_59 : memref<78x128xi32, #tpu.memory_space<hbm>>) dst(%dma_wait3A_56 : memref<78x128xi32, #tpu.memory_space<vmem>>)
      tpu.yield
    }) : () -> ()
    %mul3A_10 = arith.constant 78 : i32
    %mul3A_11 = arith.muli %add3A, %mul3A_10 : i32
    %run_scoped3A_12 = arith.constant 1 : i32
    "tpu.region"() ({
      %run_scoped3A_36 = tpu.sem_alloc : memref<!tpu.dma_semaphore, #tpu.memory_space<semaphore_mem>>
      %dma_start3A_37 = arith.constant 0 : i32
      %dma_start3A_38 = arith.constant 0 : i32
      %dma_start3A_39 = tpu.memref_slice %arg6[%dma_start3A_37, %dma_start3A_38] : memref<79x128xi32, #tpu.memory_space<vmem>> -> memref<78x128xi32, #tpu.memory_space<vmem>>
      %dma_start3A_40 = arith.constant 0 : i32
      %dma_start3A_41 = tpu.memref_slice %arg3[%run_scoped3A_12, %mul3A_11, %dma_start3A_40] : memref<2x2500x128xi32, #tpu.memory_space<hbm>> -> memref<1x78x128xi32, #tpu.memory_space<hbm>>
      %dma_start3A_42 = tpu.memref_squeeze %dma_start3A_41 : memref<1x78x128xi32, #tpu.memory_space<hbm>> -> memref<78x128xi32, #tpu.memory_space<hbm>>
      %dma_start3A_43 = arith.constant 0 : i32
      %dma_start3A_44 = arith.constant 0 : i32
      %dma_start3A_45 = tpu.memref_slice %arg6[%dma_start3A_43, %dma_start3A_44] : memref<79x128xi32, #tpu.memory_space<vmem>> -> memref<78x128xi32, #tpu.memory_space<vmem>>
      %dma_start3A_46 = arith.constant 0 : i32
      %dma_start3A_47 = tpu.memref_slice %arg3[%run_scoped3A_12, %mul3A_11, %dma_start3A_46] : memref<2x2500x128xi32, #tpu.memory_space<hbm>> -> memref<1x78x128xi32, #tpu.memory_space<hbm>>
      %dma_start3A_48 = tpu.memref_squeeze %dma_start3A_47 : memref<1x78x128xi32, #tpu.memory_space<hbm>> -> memref<78x128xi32, #tpu.memory_space<hbm>>
      tpu.enqueue_dma source(%dma_start3A_48 : memref<78x128xi32, #tpu.memory_space<hbm>>) target(%dma_start3A_45 : memref<78x128xi32, #tpu.memory_space<vmem>>) target_semaphore(%run_scoped3A_36 : memref<!tpu.dma_semaphore, #tpu.memory_space<semaphore_mem>>)
      %dma_wait3A = arith.constant 0 : i32
      %dma_wait3A_49 = arith.constant 0 : i32
      %dma_wait3A_50 = tpu.memref_slice %arg6[%dma_wait3A, %dma_wait3A_49] : memref<79x128xi32, #tpu.memory_space<vmem>> -> memref<78x128xi32, #tpu.memory_space<vmem>>
      %dma_wait3A_51 = arith.constant 0 : i32
      %dma_wait3A_52 = tpu.memref_slice %arg3[%run_scoped3A_12, %mul3A_11, %dma_wait3A_51] : memref<2x2500x128xi32, #tpu.memory_space<hbm>> -> memref<1x78x128xi32, #tpu.memory_space<hbm>>
      %dma_wait3A_53 = tpu.memref_squeeze %dma_wait3A_52 : memref<1x78x128xi32, #tpu.memory_space<hbm>> -> memref<78x128xi32, #tpu.memory_space<hbm>>
      %dma_wait3A_54 = arith.constant 0 : i32
      %dma_wait3A_55 = arith.constant 0 : i32
      %dma_wait3A_56 = tpu.memref_slice %arg6[%dma_wait3A_54, %dma_wait3A_55] : memref<79x128xi32, #tpu.memory_space<vmem>> -> memref<78x128xi32, #tpu.memory_space<vmem>>
      %dma_wait3A_57 = arith.constant 0 : i32
      %dma_wait3A_58 = tpu.memref_slice %arg3[%run_scoped3A_12, %mul3A_11, %dma_wait3A_57] : memref<2x2500x128xi32, #tpu.memory_space<hbm>> -> memref<1x78x128xi32, #tpu.memory_space<hbm>>
      %dma_wait3A_59 = tpu.memref_squeeze %dma_wait3A_58 : memref<1x78x128xi32, #tpu.memory_space<hbm>> -> memref<78x128xi32, #tpu.memory_space<hbm>>
      tpu.wait_dma2 semaphore(%run_scoped3A_36 : memref<!tpu.dma_semaphore, #tpu.memory_space<semaphore_mem>>) src(%dma_wait3A_59 : memref<78x128xi32, #tpu.memory_space<hbm>>) dst(%dma_wait3A_56 : memref<78x128xi32, #tpu.memory_space<vmem>>)
      tpu.yield
    }) : () -> ()
    %lt3A = arith.constant 4 : i32
    %lt3A_13 = arith.cmpi slt, %add3A, %lt3A : i32
    %convert_element_type3A = arith.extui %lt3A_13 : i1 to i32
    %cond3A = arith.constant 0 : i32
    %cond3A_14 = arith.cmpi ne, %convert_element_type3A, %cond3A : i32
    scf.if %cond3A_14 {
      %add3A_36 = arith.constant 2496 : i32
      %add3A_37 = arith.addi %add3A_36, %add3A : i32
      %run_scoped3A_38 = arith.constant 0 : i32
      "tpu.region"() ({
        %run_scoped3A_42 = tpu.sem_alloc : memref<!tpu.dma_semaphore, #tpu.memory_space<semaphore_mem>>
        %dma_start3A_43 = arith.constant 78 : i32
        %dma_start3A_44 = arith.constant 0 : i32
        %dma_start3A_45 = tpu.memref_slice %arg5[%dma_start3A_43, %dma_start3A_44] : memref<79x128xi32, #tpu.memory_space<vmem>> -> memref<1x128xi32, #tpu.memory_space<vmem>>
        %dma_start3A_46 = arith.constant 0 : i32
        %dma_start3A_47 = tpu.memref_slice %arg3[%run_scoped3A_38, %add3A_37, %dma_start3A_46] : memref<2x2500x128xi32, #tpu.memory_space<hbm>> -> memref<1x1x128xi32, #tpu.memory_space<hbm>>
        %dma_start3A_48 = tpu.memref_squeeze %dma_start3A_47 : memref<1x1x128xi32, #tpu.memory_space<hbm>> -> memref<1x128xi32, #tpu.memory_space<hbm>>
        %dma_start3A_49 = arith.constant 78 : i32
        %dma_start3A_50 = arith.constant 0 : i32
        %dma_start3A_51 = tpu.memref_slice %arg5[%dma_start3A_49, %dma_start3A_50] : memref<79x128xi32, #tpu.memory_space<vmem>> -> memref<1x128xi32, #tpu.memory_space<vmem>>
        %dma_start3A_52 = arith.constant 0 : i32
        %dma_start3A_53 = tpu.memref_slice %arg3[%run_scoped3A_38, %add3A_37, %dma_start3A_52] : memref<2x2500x128xi32, #tpu.memory_space<hbm>> -> memref<1x1x128xi32, #tpu.memory_space<hbm>>
        %dma_start3A_54 = tpu.memref_squeeze %dma_start3A_53 : memref<1x1x128xi32, #tpu.memory_space<hbm>> -> memref<1x128xi32, #tpu.memory_space<hbm>>
        tpu.enqueue_dma source(%dma_start3A_54 : memref<1x128xi32, #tpu.memory_space<hbm>>) target(%dma_start3A_51 : memref<1x128xi32, #tpu.memory_space<vmem>>) target_semaphore(%run_scoped3A_42 : memref<!tpu.dma_semaphore, #tpu.memory_space<semaphore_mem>>)
        %dma_wait3A = arith.constant 78 : i32
        %dma_wait3A_55 = arith.constant 0 : i32
        %dma_wait3A_56 = tpu.memref_slice %arg5[%dma_wait3A, %dma_wait3A_55] : memref<79x128xi32, #tpu.memory_space<vmem>> -> memref<1x128xi32, #tpu.memory_space<vmem>>
        %dma_wait3A_57 = arith.constant 0 : i32
        %dma_wait3A_58 = tpu.memref_slice %arg3[%run_scoped3A_38, %add3A_37, %dma_wait3A_57] : memref<2x2500x128xi32, #tpu.memory_space<hbm>> -> memref<1x1x128xi32, #tpu.memory_space<hbm>>
        %dma_wait3A_59 = tpu.memref_squeeze %dma_wait3A_58 : memref<1x1x128xi32, #tpu.memory_space<hbm>> -> memref<1x128xi32, #tpu.memory_space<hbm>>
        %dma_wait3A_60 = arith.constant 78 : i32
        %dma_wait3A_61 = arith.constant 0 : i32
        %dma_wait3A_62 = tpu.memref_slice %arg5[%dma_wait3A_60, %dma_wait3A_61] : memref<79x128xi32, #tpu.memory_space<vmem>> -> memref<1x128xi32, #tpu.memory_space<vmem>>
        %dma_wait3A_63 = arith.constant 0 : i32
        %dma_wait3A_64 = tpu.memref_slice %arg3[%run_scoped3A_38, %add3A_37, %dma_wait3A_63] : memref<2x2500x128xi32, #tpu.memory_space<hbm>> -> memref<1x1x128xi32, #tpu.memory_space<hbm>>
        %dma_wait3A_65 = tpu.memref_squeeze %dma_wait3A_64 : memref<1x1x128xi32, #tpu.memory_space<hbm>> -> memref<1x128xi32, #tpu.memory_space<hbm>>
        tpu.wait_dma2 semaphore(%run_scoped3A_42 : memref<!tpu.dma_semaphore, #tpu.memory_space<semaphore_mem>>) src(%dma_wait3A_65 : memref<1x128xi32, #tpu.memory_space<hbm>>) dst(%dma_wait3A_62 : memref<1x128xi32, #tpu.memory_space<vmem>>)
        tpu.yield
      }) : () -> ()
      %add3A_39 = arith.constant 2496 : i32
      %add3A_40 = arith.addi %add3A_39, %add3A : i32
      %run_scoped3A_41 = arith.constant 1 : i32
      "tpu.region"() ({
        %run_scoped3A_42 = tpu.sem_alloc : memref<!tpu.dma_semaphore, #tpu.memory_space<semaphore_mem>>
        %dma_start3A_43 = arith.constant 78 : i32
        %dma_start3A_44 = arith.constant 0 : i32
        %dma_start3A_45 = tpu.memref_slice %arg6[%dma_start3A_43, %dma_start3A_44] : memref<79x128xi32, #tpu.memory_space<vmem>> -> memref<1x128xi32, #tpu.memory_space<vmem>>
        %dma_start3A_46 = arith.constant 0 : i32
        %dma_start3A_47 = tpu.memref_slice %arg3[%run_scoped3A_41, %add3A_40, %dma_start3A_46] : memref<2x2500x128xi32, #tpu.memory_space<hbm>> -> memref<1x1x128xi32, #tpu.memory_space<hbm>>
        %dma_start3A_48 = tpu.memref_squeeze %dma_start3A_47 : memref<1x1x128xi32, #tpu.memory_space<hbm>> -> memref<1x128xi32, #tpu.memory_space<hbm>>
        %dma_start3A_49 = arith.constant 78 : i32
        %dma_start3A_50 = arith.constant 0 : i32
        %dma_start3A_51 = tpu.memref_slice %arg6[%dma_start3A_49, %dma_start3A_50] : memref<79x128xi32, #tpu.memory_space<vmem>> -> memref<1x128xi32, #tpu.memory_space<vmem>>
        %dma_start3A_52 = arith.constant 0 : i32
        %dma_start3A_53 = tpu.memref_slice %arg3[%run_scoped3A_41, %add3A_40, %dma_start3A_52] : memref<2x2500x128xi32, #tpu.memory_space<hbm>> -> memref<1x1x128xi32, #tpu.memory_space<hbm>>
        %dma_start3A_54 = tpu.memref_squeeze %dma_start3A_53 : memref<1x1x128xi32, #tpu.memory_space<hbm>> -> memref<1x128xi32, #tpu.memory_space<hbm>>
        tpu.enqueue_dma source(%dma_start3A_54 : memref<1x128xi32, #tpu.memory_space<hbm>>) target(%dma_start3A_51 : memref<1x128xi32, #tpu.memory_space<vmem>>) target_semaphore(%run_scoped3A_42 : memref<!tpu.dma_semaphore, #tpu.memory_space<semaphore_mem>>)
        %dma_wait3A = arith.constant 78 : i32
        %dma_wait3A_55 = arith.constant 0 : i32
        %dma_wait3A_56 = tpu.memref_slice %arg6[%dma_wait3A, %dma_wait3A_55] : memref<79x128xi32, #tpu.memory_space<vmem>> -> memref<1x128xi32, #tpu.memory_space<vmem>>
        %dma_wait3A_57 = arith.constant 0 : i32
        %dma_wait3A_58 = tpu.memref_slice %arg3[%run_scoped3A_41, %add3A_40, %dma_wait3A_57] : memref<2x2500x128xi32, #tpu.memory_space<hbm>> -> memref<1x1x128xi32, #tpu.memory_space<hbm>>
        %dma_wait3A_59 = tpu.memref_squeeze %dma_wait3A_58 : memref<1x1x128xi32, #tpu.memory_space<hbm>> -> memref<1x128xi32, #tpu.memory_space<hbm>>
        %dma_wait3A_60 = arith.constant 78 : i32
        %dma_wait3A_61 = arith.constant 0 : i32
        %dma_wait3A_62 = tpu.memref_slice %arg6[%dma_wait3A_60, %dma_wait3A_61] : memref<79x128xi32, #tpu.memory_space<vmem>> -> memref<1x128xi32, #tpu.memory_space<vmem>>
        %dma_wait3A_63 = arith.constant 0 : i32
        %dma_wait3A_64 = tpu.memref_slice %arg3[%run_scoped3A_41, %add3A_40, %dma_wait3A_63] : memref<2x2500x128xi32, #tpu.memory_space<hbm>> -> memref<1x1x128xi32, #tpu.memory_space<hbm>>
        %dma_wait3A_65 = tpu.memref_squeeze %dma_wait3A_64 : memref<1x1x128xi32, #tpu.memory_space<hbm>> -> memref<1x128xi32, #tpu.memory_space<hbm>>
        tpu.wait_dma2 semaphore(%run_scoped3A_42 : memref<!tpu.dma_semaphore, #tpu.memory_space<semaphore_mem>>) src(%dma_wait3A_65 : memref<1x128xi32, #tpu.memory_space<hbm>>) dst(%dma_wait3A_62 : memref<1x128xi32, #tpu.memory_space<vmem>>)
        tpu.yield
      }) : () -> ()
    } else {
    }
    %dma_start3A = arith.constant 0 : i32
    %dma_start3A_15 = arith.constant 0 : i32
    %dma_start3A_16 = tpu.memref_slice %arg5[%dma_start3A, %dma_start3A_15] : memref<79x128xi32, #tpu.memory_space<vmem>> -> memref<1x128xi32, #tpu.memory_space<vmem>>
    %dma_start3A_17 = tpu.memref_squeeze %dma_start3A_16 : memref<1x128xi32, #tpu.memory_space<vmem>> -> memref<128xi32, #tpu.memory_space<vmem>>
    %dma_start3A_18 = arith.constant 0 : i32
    %dma_start3A_19 = arith.constant 0 : i32
    %dma_start3A_20 = tpu.memref_slice %arg11[%dma_start3A_18, %dma_start3A_19] : memref<16384x16xf32, #tpu.memory_space<vmem_shared>> -> memref<16384x16xf32, #tpu.memory_space<vmem_shared>>
    tpu.enqueue_indirect_dma source(%dma_start3A_20 : memref<16384x16xf32, #tpu.memory_space<vmem_shared>>) target(%arg7 : memref<128x16xf32, #tpu.memory_space<vmem>>) offsets(%dma_start3A_17 : memref<128xi32, #tpu.memory_space<vmem>>) semaphore(%arg12 : memref<!tpu.dma_semaphore, #tpu.memory_space<semaphore_mem>>)
    %scan3A_21 = arith.constant 0 : i32
    %scan3A_22 = arith.constant 0 : i32
    %scan3A_23 = arith.constant 39 : i32
    %scan3A_24 = arith.addi %scan3A_22, %scan3A_23 : i32
    %scan3A_25 = arith.constant 1 : i32
    scf.for %scan3A_36 = %scan3A_22 to %scan3A_24 step %scan3A_25  : i32 {
      %mul3A_37 = arith.constant 2 : i32
      %mul3A_38 = arith.muli %mul3A_37, %scan3A_36 : i32
      %add3A_39 = arith.constant 0 : i32
      %add3A_40 = arith.addi %mul3A_38, %add3A_39 : i32
      %dma_wait3A = arith.constant 0 : i32
      %dma_wait3A_41 = arith.constant 0 : i32
      %dma_wait3A_42 = tpu.memref_slice %arg2[%dma_wait3A, %dma_wait3A_41] : memref<16384x16xf32, #tpu.memory_space<hbm>> -> memref<128x16xf32, #tpu.memory_space<hbm>>
      %dma_wait3A_43 = arith.constant 0 : i32
      %dma_wait3A_44 = arith.constant 0 : i32
      %dma_wait3A_45 = tpu.memref_slice %arg2[%dma_wait3A_43, %dma_wait3A_44] : memref<16384x16xf32, #tpu.memory_space<hbm>> -> memref<128x16xf32, #tpu.memory_space<hbm>>
      tpu.wait_dma2 semaphore(%arg12 : memref<!tpu.dma_semaphore, #tpu.memory_space<semaphore_mem>>) src(%dma_wait3A_45 : memref<128x16xf32, #tpu.memory_space<hbm>>) dst(%arg7 : memref<128x16xf32, #tpu.memory_space<vmem>>)
      %add3A_46 = arith.constant 1 : i32
      %add3A_47 = arith.addi %add3A_40, %add3A_46 : i32
      %lt3A_48 = arith.constant 78 : i32
      %lt3A_49 = arith.cmpi slt, %add3A_47, %lt3A_48 : i32
      %convert_element_type3A_50 = arith.extui %lt3A_49 : i1 to i32
      %cond3A_51 = arith.constant 0 : i32
      %cond3A_52 = arith.cmpi ne, %convert_element_type3A_50, %cond3A_51 : i32
      scf.if %cond3A_52 {
        %add3A_70 = arith.constant 1 : i32
        %add3A_71 = arith.addi %add3A_40, %add3A_70 : i32
        %dma_start3A_72 = arith.constant 0 : i32
        %dma_start3A_73 = tpu.memref_slice %arg5[%add3A_71, %dma_start3A_72] : memref<79x128xi32, #tpu.memory_space<vmem>> -> memref<1x128xi32, #tpu.memory_space<vmem>>
        %dma_start3A_74 = tpu.memref_squeeze %dma_start3A_73 : memref<1x128xi32, #tpu.memory_space<vmem>> -> memref<128xi32, #tpu.memory_space<vmem>>
        %dma_start3A_75 = arith.constant 0 : i32
        %dma_start3A_76 = arith.constant 0 : i32
        %dma_start3A_77 = tpu.memref_slice %arg11[%dma_start3A_75, %dma_start3A_76] : memref<16384x16xf32, #tpu.memory_space<vmem_shared>> -> memref<16384x16xf32, #tpu.memory_space<vmem_shared>>
        tpu.enqueue_indirect_dma source(%dma_start3A_77 : memref<16384x16xf32, #tpu.memory_space<vmem_shared>>) target(%arg8 : memref<128x16xf32, #tpu.memory_space<vmem>>) offsets(%dma_start3A_74 : memref<128xi32, #tpu.memory_space<vmem>>) semaphore(%arg13 : memref<!tpu.dma_semaphore, #tpu.memory_space<semaphore_mem>>)
      } else {
      }
      "tpu.region"() ({
        %run_scoped3A_70 = tpu.sem_alloc : memref<!tpu.dma_semaphore, #tpu.memory_space<semaphore_mem>>
        %dma_start3A_71 = arith.constant 0 : i32
        %dma_start3A_72 = tpu.memref_slice %arg6[%add3A_40, %dma_start3A_71] : memref<79x128xi32, #tpu.memory_space<vmem>> -> memref<1x128xi32, #tpu.memory_space<vmem>>
        %dma_start3A_73 = tpu.memref_squeeze %dma_start3A_72 : memref<1x128xi32, #tpu.memory_space<vmem>> -> memref<128xi32, #tpu.memory_space<vmem>>
        %dma_start3A_74 = arith.constant 0 : i32
        %dma_start3A_75 = arith.constant 0 : i32
        %dma_start3A_76 = tpu.memref_slice %arg10[%dma_start3A_74, %dma_start3A_75] : memref<16384x16xf32, #tpu.memory_space<vmem_shared>> -> memref<16384x16xf32, #tpu.memory_space<vmem_shared>>
        tpu.enqueue_indirect_dma source(%arg7 : memref<128x16xf32, #tpu.memory_space<vmem>>) target(%dma_start3A_76 : memref<16384x16xf32, #tpu.memory_space<vmem_shared>>) offsets(%dma_start3A_73 : memref<128xi32, #tpu.memory_space<vmem>>) semaphore(%run_scoped3A_70 : memref<!tpu.dma_semaphore, #tpu.memory_space<semaphore_mem>>) {add = true}
        %dma_wait3A_77 = arith.constant 0 : i32
        %dma_wait3A_78 = tpu.memref_slice %arg6[%add3A_40, %dma_wait3A_77] : memref<79x128xi32, #tpu.memory_space<vmem>> -> memref<1x128xi32, #tpu.memory_space<vmem>>
        %dma_wait3A_79 = tpu.memref_squeeze %dma_wait3A_78 : memref<1x128xi32, #tpu.memory_space<vmem>> -> memref<128xi32, #tpu.memory_space<vmem>>
        %dma_wait3A_80 = arith.constant 0 : i32
        %dma_wait3A_81 = arith.constant 0 : i32
        %dma_wait3A_82 = tpu.memref_slice %arg10[%dma_wait3A_80, %dma_wait3A_81] : memref<16384x16xf32, #tpu.memory_space<vmem_shared>> -> memref<16384x16xf32, #tpu.memory_space<vmem_shared>>
        tpu.wait_indirect_dma semaphore(%run_scoped3A_70 : memref<!tpu.dma_semaphore, #tpu.memory_space<semaphore_mem>>) src(%arg7 : memref<128x16xf32, #tpu.memory_space<vmem>>) dst(%dma_wait3A_82 : memref<16384x16xf32, #tpu.memory_space<vmem_shared>>)
        tpu.yield
      }) : () -> ()
      %mul3A_53 = arith.constant 2 : i32
      %mul3A_54 = arith.muli %mul3A_53, %scan3A_36 : i32
      %add3A_55 = arith.constant 1 : i32
      %add3A_56 = arith.addi %mul3A_54, %add3A_55 : i32
      %dma_wait3A_57 = arith.constant 0 : i32
      %dma_wait3A_58 = arith.constant 0 : i32
      %dma_wait3A_59 = tpu.memref_slice %arg2[%dma_wait3A_57, %dma_wait3A_58] : memref<16384x16xf32, #tpu.memory_space<hbm>> -> memref<128x16xf32, #tpu.memory_space<hbm>>
      %dma_wait3A_60 = arith.constant 0 : i32
      %dma_wait3A_61 = arith.constant 0 : i32
      %dma_wait3A_62 = tpu.memref_slice %arg2[%dma_wait3A_60, %dma_wait3A_61] : memref<16384x16xf32, #tpu.memory_space<hbm>> -> memref<128x16xf32, #tpu.memory_space<hbm>>
      tpu.wait_dma2 semaphore(%arg13 : memref<!tpu.dma_semaphore, #tpu.memory_space<semaphore_mem>>) src(%dma_wait3A_62 : memref<128x16xf32, #tpu.memory_space<hbm>>) dst(%arg8 : memref<128x16xf32, #tpu.memory_space<vmem>>)
      %add3A_63 = arith.constant 1 : i32
      %add3A_64 = arith.addi %add3A_56, %add3A_63 : i32
      %lt3A_65 = arith.constant 78 : i32
      %lt3A_66 = arith.cmpi slt, %add3A_64, %lt3A_65 : i32
      %convert_element_type3A_67 = arith.extui %lt3A_66 : i1 to i32
      %cond3A_68 = arith.constant 0 : i32
      %cond3A_69 = arith.cmpi ne, %convert_element_type3A_67, %cond3A_68 : i32
      scf.if %cond3A_69 {
        %add3A_70 = arith.constant 1 : i32
        %add3A_71 = arith.addi %add3A_56, %add3A_70 : i32
        %dma_start3A_72 = arith.constant 0 : i32
        %dma_start3A_73 = tpu.memref_slice %arg5[%add3A_71, %dma_start3A_72] : memref<79x128xi32, #tpu.memory_space<vmem>> -> memref<1x128xi32, #tpu.memory_space<vmem>>
        %dma_start3A_74 = tpu.memref_squeeze %dma_start3A_73 : memref<1x128xi32, #tpu.memory_space<vmem>> -> memref<128xi32, #tpu.memory_space<vmem>>
        %dma_start3A_75 = arith.constant 0 : i32
        %dma_start3A_76 = arith.constant 0 : i32
        %dma_start3A_77 = tpu.memref_slice %arg11[%dma_start3A_75, %dma_start3A_76] : memref<16384x16xf32, #tpu.memory_space<vmem_shared>> -> memref<16384x16xf32, #tpu.memory_space<vmem_shared>>
        tpu.enqueue_indirect_dma source(%dma_start3A_77 : memref<16384x16xf32, #tpu.memory_space<vmem_shared>>) target(%arg7 : memref<128x16xf32, #tpu.memory_space<vmem>>) offsets(%dma_start3A_74 : memref<128xi32, #tpu.memory_space<vmem>>) semaphore(%arg12 : memref<!tpu.dma_semaphore, #tpu.memory_space<semaphore_mem>>)
      } else {
      }
      "tpu.region"() ({
        %run_scoped3A_70 = tpu.sem_alloc : memref<!tpu.dma_semaphore, #tpu.memory_space<semaphore_mem>>
        %dma_start3A_71 = arith.constant 0 : i32
        %dma_start3A_72 = tpu.memref_slice %arg6[%add3A_56, %dma_start3A_71] : memref<79x128xi32, #tpu.memory_space<vmem>> -> memref<1x128xi32, #tpu.memory_space<vmem>>
        %dma_start3A_73 = tpu.memref_squeeze %dma_start3A_72 : memref<1x128xi32, #tpu.memory_space<vmem>> -> memref<128xi32, #tpu.memory_space<vmem>>
        %dma_start3A_74 = arith.constant 0 : i32
        %dma_start3A_75 = arith.constant 0 : i32
        %dma_start3A_76 = tpu.memref_slice %arg10[%dma_start3A_74, %dma_start3A_75] : memref<16384x16xf32, #tpu.memory_space<vmem_shared>> -> memref<16384x16xf32, #tpu.memory_space<vmem_shared>>
        tpu.enqueue_indirect_dma source(%arg8 : memref<128x16xf32, #tpu.memory_space<vmem>>) target(%dma_start3A_76 : memref<16384x16xf32, #tpu.memory_space<vmem_shared>>) offsets(%dma_start3A_73 : memref<128xi32, #tpu.memory_space<vmem>>) semaphore(%run_scoped3A_70 : memref<!tpu.dma_semaphore, #tpu.memory_space<semaphore_mem>>) {add = true}
        %dma_wait3A_77 = arith.constant 0 : i32
        %dma_wait3A_78 = tpu.memref_slice %arg6[%add3A_56, %dma_wait3A_77] : memref<79x128xi32, #tpu.memory_space<vmem>> -> memref<1x128xi32, #tpu.memory_space<vmem>>
        %dma_wait3A_79 = tpu.memref_squeeze %dma_wait3A_78 : memref<1x128xi32, #tpu.memory_space<vmem>> -> memref<128xi32, #tpu.memory_space<vmem>>
        %dma_wait3A_80 = arith.constant 0 : i32
        %dma_wait3A_81 = arith.constant 0 : i32
        %dma_wait3A_82 = tpu.memref_slice %arg10[%dma_wait3A_80, %dma_wait3A_81] : memref<16384x16xf32, #tpu.memory_space<vmem_shared>> -> memref<16384x16xf32, #tpu.memory_space<vmem_shared>>
        tpu.wait_indirect_dma semaphore(%run_scoped3A_70 : memref<!tpu.dma_semaphore, #tpu.memory_space<semaphore_mem>>) src(%arg8 : memref<128x16xf32, #tpu.memory_space<vmem>>) dst(%dma_wait3A_82 : memref<16384x16xf32, #tpu.memory_space<vmem_shared>>)
        tpu.yield
      }) : () -> ()
    }
    %scan3A_26 = arith.constant 39 : i32
    %lt3A_27 = arith.constant 4 : i32
    %lt3A_28 = arith.cmpi slt, %add3A, %lt3A_27 : i32
    %convert_element_type3A_29 = arith.extui %lt3A_28 : i1 to i32
    %cond3A_30 = arith.constant 0 : i32
    %cond3A_31 = arith.cmpi ne, %convert_element_type3A_29, %cond3A_30 : i32
    scf.if %cond3A_31 {
      %run_scoped3A_36 = arith.constant 78 : i32
      "tpu.region"() ({
        %run_scoped3A_38 = tpu.sem_alloc : memref<!tpu.dma_semaphore, #tpu.memory_space<semaphore_mem>>
        %dma_start3A_39 = arith.constant 0 : i32
        %dma_start3A_40 = tpu.memref_slice %arg5[%run_scoped3A_36, %dma_start3A_39] : memref<79x128xi32, #tpu.memory_space<vmem>> -> memref<1x128xi32, #tpu.memory_space<vmem>>
        %dma_start3A_41 = tpu.memref_squeeze %dma_start3A_40 : memref<1x128xi32, #tpu.memory_space<vmem>> -> memref<128xi32, #tpu.memory_space<vmem>>
        %dma_start3A_42 = arith.constant 0 : i32
        %dma_start3A_43 = arith.constant 0 : i32
        %dma_start3A_44 = tpu.memref_slice %arg11[%dma_start3A_42, %dma_start3A_43] : memref<16384x16xf32, #tpu.memory_space<vmem_shared>> -> memref<16384x16xf32, #tpu.memory_space<vmem_shared>>
        tpu.enqueue_indirect_dma source(%dma_start3A_44 : memref<16384x16xf32, #tpu.memory_space<vmem_shared>>) target(%arg7 : memref<128x16xf32, #tpu.memory_space<vmem>>) offsets(%dma_start3A_41 : memref<128xi32, #tpu.memory_space<vmem>>) semaphore(%run_scoped3A_38 : memref<!tpu.dma_semaphore, #tpu.memory_space<semaphore_mem>>)
        %dma_wait3A = arith.constant 0 : i32
        %dma_wait3A_45 = tpu.memref_slice %arg5[%run_scoped3A_36, %dma_wait3A] : memref<79x128xi32, #tpu.memory_space<vmem>> -> memref<1x128xi32, #tpu.memory_space<vmem>>
        %dma_wait3A_46 = tpu.memref_squeeze %dma_wait3A_45 : memref<1x128xi32, #tpu.memory_space<vmem>> -> memref<128xi32, #tpu.memory_space<vmem>>
        %dma_wait3A_47 = arith.constant 0 : i32
        %dma_wait3A_48 = arith.constant 0 : i32
        %dma_wait3A_49 = tpu.memref_slice %arg11[%dma_wait3A_47, %dma_wait3A_48] : memref<16384x16xf32, #tpu.memory_space<vmem_shared>> -> memref<16384x16xf32, #tpu.memory_space<vmem_shared>>
        tpu.wait_indirect_dma semaphore(%run_scoped3A_38 : memref<!tpu.dma_semaphore, #tpu.memory_space<semaphore_mem>>) src(%dma_wait3A_49 : memref<16384x16xf32, #tpu.memory_space<vmem_shared>>) dst(%arg7 : memref<128x16xf32, #tpu.memory_space<vmem>>)
        tpu.yield
      }) : () -> ()
      %run_scoped3A_37 = arith.constant 78 : i32
      "tpu.region"() ({
        %run_scoped3A_38 = tpu.sem_alloc : memref<!tpu.dma_semaphore, #tpu.memory_space<semaphore_mem>>
        %dma_start3A_39 = arith.constant 0 : i32
        %dma_start3A_40 = tpu.memref_slice %arg6[%run_scoped3A_37, %dma_start3A_39] : memref<79x128xi32, #tpu.memory_space<vmem>> -> memref<1x128xi32, #tpu.memory_space<vmem>>
        %dma_start3A_41 = tpu.memref_squeeze %dma_start3A_40 : memref<1x128xi32, #tpu.memory_space<vmem>> -> memref<128xi32, #tpu.memory_space<vmem>>
        %dma_start3A_42 = arith.constant 0 : i32
        %dma_start3A_43 = arith.constant 0 : i32
        %dma_start3A_44 = tpu.memref_slice %arg10[%dma_start3A_42, %dma_start3A_43] : memref<16384x16xf32, #tpu.memory_space<vmem_shared>> -> memref<16384x16xf32, #tpu.memory_space<vmem_shared>>
        tpu.enqueue_indirect_dma source(%arg7 : memref<128x16xf32, #tpu.memory_space<vmem>>) target(%dma_start3A_44 : memref<16384x16xf32, #tpu.memory_space<vmem_shared>>) offsets(%dma_start3A_41 : memref<128xi32, #tpu.memory_space<vmem>>) semaphore(%run_scoped3A_38 : memref<!tpu.dma_semaphore, #tpu.memory_space<semaphore_mem>>) {add = true}
        %dma_wait3A = arith.constant 0 : i32
        %dma_wait3A_45 = tpu.memref_slice %arg6[%run_scoped3A_37, %dma_wait3A] : memref<79x128xi32, #tpu.memory_space<vmem>> -> memref<1x128xi32, #tpu.memory_space<vmem>>
        %dma_wait3A_46 = tpu.memref_squeeze %dma_wait3A_45 : memref<1x128xi32, #tpu.memory_space<vmem>> -> memref<128xi32, #tpu.memory_space<vmem>>
        %dma_wait3A_47 = arith.constant 0 : i32
        %dma_wait3A_48 = arith.constant 0 : i32
        %dma_wait3A_49 = tpu.memref_slice %arg10[%dma_wait3A_47, %dma_wait3A_48] : memref<16384x16xf32, #tpu.memory_space<vmem_shared>> -> memref<16384x16xf32, #tpu.memory_space<vmem_shared>>
        tpu.wait_indirect_dma semaphore(%run_scoped3A_38 : memref<!tpu.dma_semaphore, #tpu.memory_space<semaphore_mem>>) src(%arg7 : memref<128x16xf32, #tpu.memory_space<vmem>>) dst(%dma_wait3A_49 : memref<16384x16xf32, #tpu.memory_space<vmem_shared>>)
        tpu.yield
      }) : () -> ()
    } else {
    }
    %barrier3A_32 = arith.constant 0 : index
    tpu.barrier barrier_id(%barrier3A_32)
    "tpu.region"() ({
      %run_scoped3A_36 = tpu.sem_alloc : memref<!tpu.dma_semaphore, #tpu.memory_space<semaphore_mem>>
      %dma_start3A_37 = arith.constant 0 : i32
      %dma_start3A_38 = tpu.memref_slice %arg10[%mul3A_2, %dma_start3A_37] : memref<16384x16xf32, #tpu.memory_space<vmem_shared>> -> memref<1024x16xf32, #tpu.memory_space<vmem_shared>>
      %dma_start3A_39 = arith.constant 0 : i32
      %dma_start3A_40 = tpu.memref_slice %arg10[%mul3A_2, %dma_start3A_39] : memref<16384x16xf32, #tpu.memory_space<vmem_shared>> -> memref<1024x16xf32, #tpu.memory_space<vmem_shared>>
      tpu.enqueue_dma source(%dma_start3A_40 : memref<1024x16xf32, #tpu.memory_space<vmem_shared>>) target(%arg9 : memref<1024x16xf32, #tpu.memory_space<vmem>>) target_semaphore(%run_scoped3A_36 : memref<!tpu.dma_semaphore, #tpu.memory_space<semaphore_mem>>)
      %dma_wait3A = arith.constant 0 : i32
      %dma_wait3A_41 = tpu.memref_slice %arg10[%mul3A_2, %dma_wait3A] : memref<16384x16xf32, #tpu.memory_space<vmem_shared>> -> memref<1024x16xf32, #tpu.memory_space<vmem_shared>>
      %dma_wait3A_42 = arith.constant 0 : i32
      %dma_wait3A_43 = tpu.memref_slice %arg10[%mul3A_2, %dma_wait3A_42] : memref<16384x16xf32, #tpu.memory_space<vmem_shared>> -> memref<1024x16xf32, #tpu.memory_space<vmem_shared>>
      tpu.wait_dma2 semaphore(%run_scoped3A_36 : memref<!tpu.dma_semaphore, #tpu.memory_space<semaphore_mem>>) src(%dma_wait3A_43 : memref<1024x16xf32, #tpu.memory_space<vmem_shared>>) dst(%arg9 : memref<1024x16xf32, #tpu.memory_space<vmem>>)
      tpu.yield
    }) : () -> ()
    %mul3A_33 = arith.constant 16384 : i32
    %mul3A_34 = arith.muli %arg0, %mul3A_33 : i32
    %add3A_35 = arith.addi %mul3A_34, %mul3A_2 : i32
    "tpu.region"() ({
      %run_scoped3A_36 = tpu.sem_alloc : memref<!tpu.dma_semaphore, #tpu.memory_space<semaphore_mem>>
      %dma_start3A_37 = arith.constant 0 : i32
      %dma_start3A_38 = tpu.memref_slice %arg4[%add3A_35, %dma_start3A_37] : memref<32768x16xf32, #tpu.memory_space<hbm>> -> memref<1024x16xf32, #tpu.memory_space<hbm>>
      %dma_start3A_39 = arith.constant 0 : i32
      %dma_start3A_40 = tpu.memref_slice %arg4[%add3A_35, %dma_start3A_39] : memref<32768x16xf32, #tpu.memory_space<hbm>> -> memref<1024x16xf32, #tpu.memory_space<hbm>>
      tpu.enqueue_dma source(%arg9 : memref<1024x16xf32, #tpu.memory_space<vmem>>) target(%dma_start3A_40 : memref<1024x16xf32, #tpu.memory_space<hbm>>) target_semaphore(%run_scoped3A_36 : memref<!tpu.dma_semaphore, #tpu.memory_space<semaphore_mem>>)
      %dma_wait3A = arith.constant 0 : i32
      %dma_wait3A_41 = tpu.memref_slice %arg4[%add3A_35, %dma_wait3A] : memref<32768x16xf32, #tpu.memory_space<hbm>> -> memref<1024x16xf32, #tpu.memory_space<hbm>>
      %dma_wait3A_42 = arith.constant 0 : i32
      %dma_wait3A_43 = tpu.memref_slice %arg4[%add3A_35, %dma_wait3A_42] : memref<32768x16xf32, #tpu.memory_space<hbm>> -> memref<1024x16xf32, #tpu.memory_space<hbm>>
      tpu.wait_dma2 semaphore(%run_scoped3A_36 : memref<!tpu.dma_semaphore, #tpu.memory_space<semaphore_mem>>) src(%arg9 : memref<1024x16xf32, #tpu.memory_space<vmem>>) dst(%dma_wait3A_43 : memref<1024x16xf32, #tpu.memory_space<hbm>>)
      tpu.yield
    }) : () -> ()
    return
  }
}

module attributes {stable_mosaic.version = 14 : i64} {
  func.func @proj_body(%arg0: memref<10000x128xf32, #tpu.memory_space<vmem>>, %arg1: memref<128x16xf32, #tpu.memory_space<vmem>>, %arg2: memref<128x16xf32, #tpu.memory_space<vmem>>, %arg3: memref<2048x128xf32, #tpu.memory_space<vmem>>, %arg4: memref<2048x128xf32, #tpu.memory_space<vmem>>) attributes {dimension_semantics = [], scalar_prefetch = 0 : i64, scratch_operands = 0 : i64, tpu.core_type = #tpu.core_type<tc>} {
    %get3A = arith.constant 0 : index
    %get3A_0 = arith.constant 0 : index
    %get3A_1 = vector.load %arg0[%get3A, %get3A_0] : memref<10000x128xf32, #tpu.memory_space<vmem>>, vector<10000x128xf32>
    %slice3A = vector.extract_strided_slice %get3A_1 {offsets = [0, 0], sizes = [2048, 128], strides = [1, 1]} : vector<10000x128xf32> to vector<2048x128xf32>
    %get3A_2 = arith.constant 0 : index
    %get3A_3 = arith.constant 0 : index
    %get3A_4 = vector.load %arg1[%get3A_2, %get3A_3] : memref<128x16xf32, #tpu.memory_space<vmem>>, vector<128x16xf32>
    %dot_general3A = arith.constant dense<0.000000e+00> : vector<2048x16xf32>
    %dot_general3A_5 = tpu.matmul %slice3A, %get3A_4, %dot_general3A {dimension_numbers = #tpu.dot_dimension_numbers<[1], [0], [0], [1], [0, 0, 1, 1], [], []>, transpose_lhs_hint = false} : vector<2048x128xf32>, vector<128x16xf32>, vector<2048x16xf32> -> vector<2048x16xf32>
    %get3A_6 = arith.constant 0 : index
    %get3A_7 = arith.constant 0 : index
    %get3A_8 = vector.load %arg2[%get3A_6, %get3A_7] : memref<128x16xf32, #tpu.memory_space<vmem>>, vector<128x16xf32>
    %dot_general3A_9 = arith.constant dense<0.000000e+00> : vector<2048x16xf32>
    %dot_general3A_10 = tpu.matmul %slice3A, %get3A_8, %dot_general3A_9 {dimension_numbers = #tpu.dot_dimension_numbers<[1], [0], [0], [1], [0, 0, 1, 1], [], []>, transpose_lhs_hint = false} : vector<2048x128xf32>, vector<128x16xf32>, vector<2048x16xf32> -> vector<2048x16xf32>
    %swap3A = arith.constant 0 : index
    %swap3A_11 = arith.constant 0 : index
    %swap3A_12 = vector.load %arg3[%swap3A, %swap3A_11] : memref<2048x128xf32, #tpu.memory_space<vmem>>, vector<2048x16xf32>
    tpu.vector_store %arg3[%swap3A, %swap3A_11], %dot_general3A_5 {strides = array<i32>} : memref<2048x128xf32, #tpu.memory_space<vmem>>, vector<2048x16xf32>,
    %swap3A_13 = arith.constant 0 : index
    %swap3A_14 = arith.constant 0 : index
    %swap3A_15 = vector.load %arg4[%swap3A_13, %swap3A_14] : memref<2048x128xf32, #tpu.memory_space<vmem>>, vector<2048x16xf32>
    tpu.vector_store %arg4[%swap3A_13, %swap3A_14], %dot_general3A_10 {strides = array<i32>} : memref<2048x128xf32, #tpu.memory_space<vmem>>, vector<2048x16xf32>,
    %slice3A_16 = vector.extract_strided_slice %get3A_1 {offsets = [2048, 0], sizes = [2048, 128], strides = [1, 1]} : vector<10000x128xf32> to vector<2048x128xf32>
    %get3A_17 = arith.constant 0 : index
    %get3A_18 = arith.constant 0 : index
    %get3A_19 = vector.load %arg1[%get3A_17, %get3A_18] : memref<128x16xf32, #tpu.memory_space<vmem>>, vector<128x16xf32>
    %dot_general3A_20 = arith.constant dense<0.000000e+00> : vector<2048x16xf32>
    %dot_general3A_21 = tpu.matmul %slice3A_16, %get3A_19, %dot_general3A_20 {dimension_numbers = #tpu.dot_dimension_numbers<[1], [0], [0], [1], [0, 0, 1, 1], [], []>, transpose_lhs_hint = false} : vector<2048x128xf32>, vector<128x16xf32>, vector<2048x16xf32> -> vector<2048x16xf32>
    %get3A_22 = arith.constant 0 : index
    %get3A_23 = arith.constant 0 : index
    %get3A_24 = vector.load %arg2[%get3A_22, %get3A_23] : memref<128x16xf32, #tpu.memory_space<vmem>>, vector<128x16xf32>
    %dot_general3A_25 = arith.constant dense<0.000000e+00> : vector<2048x16xf32>
    %dot_general3A_26 = tpu.matmul %slice3A_16, %get3A_24, %dot_general3A_25 {dimension_numbers = #tpu.dot_dimension_numbers<[1], [0], [0], [1], [0, 0, 1, 1], [], []>, transpose_lhs_hint = false} : vector<2048x128xf32>, vector<128x16xf32>, vector<2048x16xf32> -> vector<2048x16xf32>
    %swap3A_27 = arith.constant 0 : index
    %swap3A_28 = arith.constant 16 : index
    %swap3A_29 = vector.load %arg3[%swap3A_27, %swap3A_28] : memref<2048x128xf32, #tpu.memory_space<vmem>>, vector<2048x16xf32>
    tpu.vector_store %arg3[%swap3A_27, %swap3A_28], %dot_general3A_21 {strides = array<i32>} : memref<2048x128xf32, #tpu.memory_space<vmem>>, vector<2048x16xf32>,
    %swap3A_30 = arith.constant 0 : index
    %swap3A_31 = arith.constant 16 : index
    %swap3A_32 = vector.load %arg4[%swap3A_30, %swap3A_31] : memref<2048x128xf32, #tpu.memory_space<vmem>>, vector<2048x16xf32>
    tpu.vector_store %arg4[%swap3A_30, %swap3A_31], %dot_general3A_26 {strides = array<i32>} : memref<2048x128xf32, #tpu.memory_space<vmem>>, vector<2048x16xf32>,
    %slice3A_33 = vector.extract_strided_slice %get3A_1 {offsets = [4096, 0], sizes = [2048, 128], strides = [1, 1]} : vector<10000x128xf32> to vector<2048x128xf32>
    %get3A_34 = arith.constant 0 : index
    %get3A_35 = arith.constant 0 : index
    %get3A_36 = vector.load %arg1[%get3A_34, %get3A_35] : memref<128x16xf32, #tpu.memory_space<vmem>>, vector<128x16xf32>
    %dot_general3A_37 = arith.constant dense<0.000000e+00> : vector<2048x16xf32>
    %dot_general3A_38 = tpu.matmul %slice3A_33, %get3A_36, %dot_general3A_37 {dimension_numbers = #tpu.dot_dimension_numbers<[1], [0], [0], [1], [0, 0, 1, 1], [], []>, transpose_lhs_hint = false} : vector<2048x128xf32>, vector<128x16xf32>, vector<2048x16xf32> -> vector<2048x16xf32>
    %get3A_39 = arith.constant 0 : index
    %get3A_40 = arith.constant 0 : index
    %get3A_41 = vector.load %arg2[%get3A_39, %get3A_40] : memref<128x16xf32, #tpu.memory_space<vmem>>, vector<128x16xf32>
    %dot_general3A_42 = arith.constant dense<0.000000e+00> : vector<2048x16xf32>
    %dot_general3A_43 = tpu.matmul %slice3A_33, %get3A_41, %dot_general3A_42 {dimension_numbers = #tpu.dot_dimension_numbers<[1], [0], [0], [1], [0, 0, 1, 1], [], []>, transpose_lhs_hint = false} : vector<2048x128xf32>, vector<128x16xf32>, vector<2048x16xf32> -> vector<2048x16xf32>
    %swap3A_44 = arith.constant 0 : index
    %swap3A_45 = arith.constant 32 : index
    %swap3A_46 = vector.load %arg3[%swap3A_44, %swap3A_45] : memref<2048x128xf32, #tpu.memory_space<vmem>>, vector<2048x16xf32>
    tpu.vector_store %arg3[%swap3A_44, %swap3A_45], %dot_general3A_38 {strides = array<i32>} : memref<2048x128xf32, #tpu.memory_space<vmem>>, vector<2048x16xf32>,
    %swap3A_47 = arith.constant 0 : index
    %swap3A_48 = arith.constant 32 : index
    %swap3A_49 = vector.load %arg4[%swap3A_47, %swap3A_48] : memref<2048x128xf32, #tpu.memory_space<vmem>>, vector<2048x16xf32>
    tpu.vector_store %arg4[%swap3A_47, %swap3A_48], %dot_general3A_43 {strides = array<i32>} : memref<2048x128xf32, #tpu.memory_space<vmem>>, vector<2048x16xf32>,
    %slice3A_50 = vector.extract_strided_slice %get3A_1 {offsets = [6144, 0], sizes = [2048, 128], strides = [1, 1]} : vector<10000x128xf32> to vector<2048x128xf32>
    %get3A_51 = arith.constant 0 : index
    %get3A_52 = arith.constant 0 : index
    %get3A_53 = vector.load %arg1[%get3A_51, %get3A_52] : memref<128x16xf32, #tpu.memory_space<vmem>>, vector<128x16xf32>
    %dot_general3A_54 = arith.constant dense<0.000000e+00> : vector<2048x16xf32>
    %dot_general3A_55 = tpu.matmul %slice3A_50, %get3A_53, %dot_general3A_54 {dimension_numbers = #tpu.dot_dimension_numbers<[1], [0], [0], [1], [0, 0, 1, 1], [], []>, transpose_lhs_hint = false} : vector<2048x128xf32>, vector<128x16xf32>, vector<2048x16xf32> -> vector<2048x16xf32>
    %get3A_56 = arith.constant 0 : index
    %get3A_57 = arith.constant 0 : index
    %get3A_58 = vector.load %arg2[%get3A_56, %get3A_57] : memref<128x16xf32, #tpu.memory_space<vmem>>, vector<128x16xf32>
    %dot_general3A_59 = arith.constant dense<0.000000e+00> : vector<2048x16xf32>
    %dot_general3A_60 = tpu.matmul %slice3A_50, %get3A_58, %dot_general3A_59 {dimension_numbers = #tpu.dot_dimension_numbers<[1], [0], [0], [1], [0, 0, 1, 1], [], []>, transpose_lhs_hint = false} : vector<2048x128xf32>, vector<128x16xf32>, vector<2048x16xf32> -> vector<2048x16xf32>
    %swap3A_61 = arith.constant 0 : index
    %swap3A_62 = arith.constant 48 : index
    %swap3A_63 = vector.load %arg3[%swap3A_61, %swap3A_62] : memref<2048x128xf32, #tpu.memory_space<vmem>>, vector<2048x16xf32>
    tpu.vector_store %arg3[%swap3A_61, %swap3A_62], %dot_general3A_55 {strides = array<i32>} : memref<2048x128xf32, #tpu.memory_space<vmem>>, vector<2048x16xf32>,
    %swap3A_64 = arith.constant 0 : index
    %swap3A_65 = arith.constant 48 : index
    %swap3A_66 = vector.load %arg4[%swap3A_64, %swap3A_65] : memref<2048x128xf32, #tpu.memory_space<vmem>>, vector<2048x16xf32>
    tpu.vector_store %arg4[%swap3A_64, %swap3A_65], %dot_general3A_60 {strides = array<i32>} : memref<2048x128xf32, #tpu.memory_space<vmem>>, vector<2048x16xf32>,
    %slice3A_67 = vector.extract_strided_slice %get3A_1 {offsets = [8192, 0], sizes = [1808, 128], strides = [1, 1]} : vector<10000x128xf32> to vector<1808x128xf32>
    %get3A_68 = arith.constant 0 : index
    %get3A_69 = arith.constant 0 : index
    %get3A_70 = vector.load %arg1[%get3A_68, %get3A_69] : memref<128x16xf32, #tpu.memory_space<vmem>>, vector<128x16xf32>
    %dot_general3A_71 = arith.constant dense<0.000000e+00> : vector<1808x16xf32>
    %dot_general3A_72 = tpu.matmul %slice3A_67, %get3A_70, %dot_general3A_71 {dimension_numbers = #tpu.dot_dimension_numbers<[1], [0], [0], [1], [0, 0, 1, 1], [], []>, transpose_lhs_hint = false} : vector<1808x128xf32>, vector<128x16xf32>, vector<1808x16xf32> -> vector<1808x16xf32>
    %get3A_73 = arith.constant 0 : index
    %get3A_74 = arith.constant 0 : index
    %get3A_75 = vector.load %arg2[%get3A_73, %get3A_74] : memref<128x16xf32, #tpu.memory_space<vmem>>, vector<128x16xf32>
    %dot_general3A_76 = arith.constant dense<0.000000e+00> : vector<1808x16xf32>
    %dot_general3A_77 = tpu.matmul %slice3A_67, %get3A_75, %dot_general3A_76 {dimension_numbers = #tpu.dot_dimension_numbers<[1], [0], [0], [1], [0, 0, 1, 1], [], []>, transpose_lhs_hint = false} : vector<1808x128xf32>, vector<128x16xf32>, vector<1808x16xf32> -> vector<1808x16xf32>
    %broadcast_in_dim3A = arith.constant 0.000000e+00 : f32
    %broadcast_in_dim3A_78 = vector.broadcast %broadcast_in_dim3A : f32 to vector<240x16xf32>
    %concatenate3A = tpu.concatenate %dot_general3A_72, %broadcast_in_dim3A_78 in 0 : vector<1808x16xf32>, vector<240x16xf32> -> vector<2048x16xf32>
    %concatenate3A_79 = tpu.concatenate %dot_general3A_77, %broadcast_in_dim3A_78 in 0 : vector<1808x16xf32>, vector<240x16xf32> -> vector<2048x16xf32>
    %swap3A_80 = arith.constant 0 : index
    %swap3A_81 = arith.constant 64 : index
    %swap3A_82 = vector.load %arg3[%swap3A_80, %swap3A_81] : memref<2048x128xf32, #tpu.memory_space<vmem>>, vector<2048x16xf32>
    tpu.vector_store %arg3[%swap3A_80, %swap3A_81], %concatenate3A {strides = array<i32>} : memref<2048x128xf32, #tpu.memory_space<vmem>>, vector<2048x16xf32>,
    %swap3A_83 = arith.constant 0 : index
    %swap3A_84 = arith.constant 64 : index
    %swap3A_85 = vector.load %arg4[%swap3A_83, %swap3A_84] : memref<2048x128xf32, #tpu.memory_space<vmem>>, vector<2048x16xf32>
    tpu.vector_store %arg4[%swap3A_83, %swap3A_84], %concatenate3A_79 {strides = array<i32>} : memref<2048x128xf32, #tpu.memory_space<vmem>>, vector<2048x16xf32>,
    %broadcast_in_dim3A_86 = arith.constant 0.000000e+00 : f32
    %broadcast_in_dim3A_87 = vector.broadcast %broadcast_in_dim3A_86 : f32 to vector<2048x16xf32>
    %swap3A_88 = arith.constant 0 : index
    %swap3A_89 = arith.constant 80 : index
    %swap3A_90 = vector.load %arg3[%swap3A_88, %swap3A_89] : memref<2048x128xf32, #tpu.memory_space<vmem>>, vector<2048x16xf32>
    tpu.vector_store %arg3[%swap3A_88, %swap3A_89], %broadcast_in_dim3A_87 {strides = array<i32>} : memref<2048x128xf32, #tpu.memory_space<vmem>>, vector<2048x16xf32>,
    %broadcast_in_dim3A_91 = arith.constant 0.000000e+00 : f32
    %broadcast_in_dim3A_92 = vector.broadcast %broadcast_in_dim3A_91 : f32 to vector<2048x16xf32>
    %swap3A_93 = arith.constant 0 : index
    %swap3A_94 = arith.constant 80 : index
    %swap3A_95 = vector.load %arg4[%swap3A_93, %swap3A_94] : memref<2048x128xf32, #tpu.memory_space<vmem>>, vector<2048x16xf32>
    tpu.vector_store %arg4[%swap3A_93, %swap3A_94], %broadcast_in_dim3A_92 {strides = array<i32>} : memref<2048x128xf32, #tpu.memory_space<vmem>>, vector<2048x16xf32>,
    %broadcast_in_dim3A_96 = arith.constant 0.000000e+00 : f32
    %broadcast_in_dim3A_97 = vector.broadcast %broadcast_in_dim3A_96 : f32 to vector<2048x16xf32>
    %swap3A_98 = arith.constant 0 : index
    %swap3A_99 = arith.constant 96 : index
    %swap3A_100 = vector.load %arg3[%swap3A_98, %swap3A_99] : memref<2048x128xf32, #tpu.memory_space<vmem>>, vector<2048x16xf32>
    tpu.vector_store %arg3[%swap3A_98, %swap3A_99], %broadcast_in_dim3A_97 {strides = array<i32>} : memref<2048x128xf32, #tpu.memory_space<vmem>>, vector<2048x16xf32>,
    %broadcast_in_dim3A_101 = arith.constant 0.000000e+00 : f32
    %broadcast_in_dim3A_102 = vector.broadcast %broadcast_in_dim3A_101 : f32 to vector<2048x16xf32>
    %swap3A_103 = arith.constant 0 : index
    %swap3A_104 = arith.constant 96 : index
    %swap3A_105 = vector.load %arg4[%swap3A_103, %swap3A_104] : memref<2048x128xf32, #tpu.memory_space<vmem>>, vector<2048x16xf32>
    tpu.vector_store %arg4[%swap3A_103, %swap3A_104], %broadcast_in_dim3A_102 {strides = array<i32>} : memref<2048x128xf32, #tpu.memory_space<vmem>>, vector<2048x16xf32>,
    %broadcast_in_dim3A_106 = arith.constant 0.000000e+00 : f32
    %broadcast_in_dim3A_107 = vector.broadcast %broadcast_in_dim3A_106 : f32 to vector<2048x16xf32>
    %swap3A_108 = arith.constant 0 : index
    %swap3A_109 = arith.constant 112 : index
    %swap3A_110 = vector.load %arg3[%swap3A_108, %swap3A_109] : memref<2048x128xf32, #tpu.memory_space<vmem>>, vector<2048x16xf32>
    tpu.vector_store %arg3[%swap3A_108, %swap3A_109], %broadcast_in_dim3A_107 {strides = array<i32>} : memref<2048x128xf32, #tpu.memory_space<vmem>>, vector<2048x16xf32>,
    %broadcast_in_dim3A_111 = arith.constant 0.000000e+00 : f32
    %broadcast_in_dim3A_112 = vector.broadcast %broadcast_in_dim3A_111 : f32 to vector<2048x16xf32>
    %swap3A_113 = arith.constant 0 : index
    %swap3A_114 = arith.constant 112 : index
    %swap3A_115 = vector.load %arg4[%swap3A_113, %swap3A_114] : memref<2048x128xf32, #tpu.memory_space<vmem>>, vector<2048x16xf32>
    tpu.vector_store %arg4[%swap3A_113, %swap3A_114], %broadcast_in_dim3A_112 {strides = array<i32>} : memref<2048x128xf32, #tpu.memory_space<vmem>>, vector<2048x16xf32>,
    return
  }
}

module attributes {stable_mosaic.version = 14 : i64} {
  func.func @finish_body(%arg0: memref<4096x128xf32, #tpu.memory_space<vmem>>, %arg1: memref<2048x128xf32, #tpu.memory_space<vmem>>, %arg2: memref<8x2048xi32, #tpu.memory_space<vmem>>, %arg3: memref<1x128xf32, #tpu.memory_space<vmem>>, %arg4: memref<16x10xf32, #tpu.memory_space<vmem>>, %arg5: memref<1x10xf32, #tpu.memory_space<vmem>>, %arg6: memref<64x10xf32, #tpu.memory_space<vmem>>) attributes {dimension_semantics = [], scalar_prefetch = 0 : i64, scratch_operands = 0 : i64, tpu.core_type = #tpu.core_type<tc>} {
    %get3A = arith.constant 0 : index
    %get3A_0 = arith.constant 0 : index
    %get3A_1 = vector.load %arg0[%get3A, %get3A_0] : memref<4096x128xf32, #tpu.memory_space<vmem>>, vector<4096x128xf32>
    %slice3A = vector.extract_strided_slice %get3A_1 {offsets = [0, 0], sizes = [2048, 128], strides = [1, 1]} : vector<4096x128xf32> to vector<2048x128xf32>
    %slice3A_2 = vector.extract_strided_slice %get3A_1 {offsets = [2048, 0], sizes = [2048, 128], strides = [1, 1]} : vector<4096x128xf32> to vector<2048x128xf32>
    %add3A = arith.addf %slice3A, %slice3A_2 : vector<2048x128xf32>
    %get3A_3 = arith.constant 0 : index
    %get3A_4 = arith.constant 0 : index
    %get3A_5 = vector.load %arg1[%get3A_3, %get3A_4] : memref<2048x128xf32, #tpu.memory_space<vmem>>, vector<2048x128xf32>
    %add3A_6 = arith.addf %add3A, %get3A_5 : vector<2048x128xf32>
    %get3A_7 = arith.constant 0 : index
    %get3A_8 = arith.constant 0 : index
    %get3A_9 = vector.load %arg3[%get3A_7, %get3A_8] : memref<1x128xf32, #tpu.memory_space<vmem>>, vector<1x128xf32>
    %add3A_10 = vector.broadcast %get3A_9 : vector<1x128xf32> to vector<2048x128xf32>
    %add3A_11 = arith.addf %add3A_6, %add3A_10 : vector<2048x128xf32>
    %max3A = arith.constant 0.000000e+00 : f32
    %max3A_12 = vector.broadcast %max3A : f32 to vector<2048x128xf32>
    %max3A_13 = arith.maximumf %add3A_11, %max3A_12 : vector<2048x128xf32>
    %iota3A = tpu.iota {dimensions = array<i32: 0>} : vector<64x1xi32>
    %get3A_14 = arith.constant 0 : index
    %get3A_15 = arith.constant 0 : index
    %get3A_16 = vector.load %arg2[%get3A_14, %get3A_15] : memref<8x2048xi32, #tpu.memory_space<vmem>>, vector<8x2048xi32>
    %broadcast_in_dim3A = arith.constant 0.000000e+00 : f32
    %broadcast_in_dim3A_17 = vector.broadcast %broadcast_in_dim3A : f32 to vector<64x16xf32>
    %broadcast_in_dim3A_18 = arith.constant 0.000000e+00 : f32
    %broadcast_in_dim3A_19 = vector.broadcast %broadcast_in_dim3A_18 : f32 to vector<64x1xf32>
    %slice3A_20 = vector.extract_strided_slice %get3A_16 {offsets = [0, 0], sizes = [1, 2048], strides = [1, 1]} : vector<8x2048xi32> to vector<1x2048xi32>
    %eq3A = vector.broadcast %slice3A_20 : vector<1x2048xi32> to vector<64x2048xi32>
    %eq3A_21 = vector.broadcast %iota3A : vector<64x1xi32> to vector<64x2048xi32>
    %eq3A_22 = arith.cmpi eq, %eq3A, %eq3A_21 : vector<64x2048xi32>
    %convert_element_type3A = arith.extui %eq3A_22 : vector<64x2048xi1> to vector<64x2048xi32>
    %convert_element_type3A_23 = arith.sitofp %convert_element_type3A : vector<64x2048xi32> to vector<64x2048xf32>
    %slice3A_24 = vector.extract_strided_slice %max3A_13 {offsets = [0, 0], sizes = [2048, 16], strides = [1, 1]} : vector<2048x128xf32> to vector<2048x16xf32>
    %dot_general3A = arith.constant dense<0.000000e+00> : vector<64x16xf32>
    %dot_general3A_25 = tpu.matmul %convert_element_type3A_23, %slice3A_24, %dot_general3A {dimension_numbers = #tpu.dot_dimension_numbers<[1], [0], [0], [1], [0, 0, 1, 1], [], []>, transpose_lhs_hint = false} : vector<64x2048xf32>, vector<2048x16xf32>, vector<64x16xf32> -> vector<64x16xf32>
    %add3A_26 = arith.addf %broadcast_in_dim3A_17, %dot_general3A_25 : vector<64x16xf32>
    %reduce_sum3A = arith.constant dense<0.000000e+00> : vector<64xf32>
    %reduce_sum3A_27 = vector.multi_reduction <add>, %convert_element_type3A_23, %reduce_sum3A [1] : vector<64x2048xf32> to vector<64xf32>
    %broadcast_in_dim3A_28 = vector.shape_cast %reduce_sum3A_27 : vector<64xf32> to vector<64x1xf32>
    %add3A_29 = arith.addf %broadcast_in_dim3A_19, %broadcast_in_dim3A_28 : vector<64x1xf32>
    %slice3A_30 = vector.extract_strided_slice %get3A_16 {offsets = [1, 0], sizes = [1, 2048], strides = [1, 1]} : vector<8x2048xi32> to vector<1x2048xi32>
    %eq3A_31 = vector.broadcast %slice3A_30 : vector<1x2048xi32> to vector<64x2048xi32>
    %eq3A_32 = vector.broadcast %iota3A : vector<64x1xi32> to vector<64x2048xi32>
    %eq3A_33 = arith.cmpi eq, %eq3A_31, %eq3A_32 : vector<64x2048xi32>
    %convert_element_type3A_34 = arith.extui %eq3A_33 : vector<64x2048xi1> to vector<64x2048xi32>
    %convert_element_type3A_35 = arith.sitofp %convert_element_type3A_34 : vector<64x2048xi32> to vector<64x2048xf32>
    %slice3A_36 = vector.extract_strided_slice %max3A_13 {offsets = [0, 16], sizes = [2048, 16], strides = [1, 1]} : vector<2048x128xf32> to vector<2048x16xf32>
    %dot_general3A_37 = arith.constant dense<0.000000e+00> : vector<64x16xf32>
    %dot_general3A_38 = tpu.matmul %convert_element_type3A_35, %slice3A_36, %dot_general3A_37 {dimension_numbers = #tpu.dot_dimension_numbers<[1], [0], [0], [1], [0, 0, 1, 1], [], []>, transpose_lhs_hint = false} : vector<64x2048xf32>, vector<2048x16xf32>, vector<64x16xf32> -> vector<64x16xf32>
    %add3A_39 = arith.addf %add3A_26, %dot_general3A_38 : vector<64x16xf32>
    %reduce_sum3A_40 = arith.constant dense<0.000000e+00> : vector<64xf32>
    %reduce_sum3A_41 = vector.multi_reduction <add>, %convert_element_type3A_35, %reduce_sum3A_40 [1] : vector<64x2048xf32> to vector<64xf32>
    %broadcast_in_dim3A_42 = vector.shape_cast %reduce_sum3A_41 : vector<64xf32> to vector<64x1xf32>
    %add3A_43 = arith.addf %add3A_29, %broadcast_in_dim3A_42 : vector<64x1xf32>
    %slice3A_44 = vector.extract_strided_slice %get3A_16 {offsets = [2, 0], sizes = [1, 2048], strides = [1, 1]} : vector<8x2048xi32> to vector<1x2048xi32>
    %eq3A_45 = vector.broadcast %slice3A_44 : vector<1x2048xi32> to vector<64x2048xi32>
    %eq3A_46 = vector.broadcast %iota3A : vector<64x1xi32> to vector<64x2048xi32>
    %eq3A_47 = arith.cmpi eq, %eq3A_45, %eq3A_46 : vector<64x2048xi32>
    %convert_element_type3A_48 = arith.extui %eq3A_47 : vector<64x2048xi1> to vector<64x2048xi32>
    %convert_element_type3A_49 = arith.sitofp %convert_element_type3A_48 : vector<64x2048xi32> to vector<64x2048xf32>
    %slice3A_50 = vector.extract_strided_slice %max3A_13 {offsets = [0, 32], sizes = [2048, 16], strides = [1, 1]} : vector<2048x128xf32> to vector<2048x16xf32>
    %dot_general3A_51 = arith.constant dense<0.000000e+00> : vector<64x16xf32>
    %dot_general3A_52 = tpu.matmul %convert_element_type3A_49, %slice3A_50, %dot_general3A_51 {dimension_numbers = #tpu.dot_dimension_numbers<[1], [0], [0], [1], [0, 0, 1, 1], [], []>, transpose_lhs_hint = false} : vector<64x2048xf32>, vector<2048x16xf32>, vector<64x16xf32> -> vector<64x16xf32>
    %add3A_53 = arith.addf %add3A_39, %dot_general3A_52 : vector<64x16xf32>
    %reduce_sum3A_54 = arith.constant dense<0.000000e+00> : vector<64xf32>
    %reduce_sum3A_55 = vector.multi_reduction <add>, %convert_element_type3A_49, %reduce_sum3A_54 [1] : vector<64x2048xf32> to vector<64xf32>
    %broadcast_in_dim3A_56 = vector.shape_cast %reduce_sum3A_55 : vector<64xf32> to vector<64x1xf32>
    %add3A_57 = arith.addf %add3A_43, %broadcast_in_dim3A_56 : vector<64x1xf32>
    %slice3A_58 = vector.extract_strided_slice %get3A_16 {offsets = [3, 0], sizes = [1, 2048], strides = [1, 1]} : vector<8x2048xi32> to vector<1x2048xi32>
    %eq3A_59 = vector.broadcast %slice3A_58 : vector<1x2048xi32> to vector<64x2048xi32>
    %eq3A_60 = vector.broadcast %iota3A : vector<64x1xi32> to vector<64x2048xi32>
    %eq3A_61 = arith.cmpi eq, %eq3A_59, %eq3A_60 : vector<64x2048xi32>
    %convert_element_type3A_62 = arith.extui %eq3A_61 : vector<64x2048xi1> to vector<64x2048xi32>
    %convert_element_type3A_63 = arith.sitofp %convert_element_type3A_62 : vector<64x2048xi32> to vector<64x2048xf32>
    %slice3A_64 = vector.extract_strided_slice %max3A_13 {offsets = [0, 48], sizes = [2048, 16], strides = [1, 1]} : vector<2048x128xf32> to vector<2048x16xf32>
    %dot_general3A_65 = arith.constant dense<0.000000e+00> : vector<64x16xf32>
    %dot_general3A_66 = tpu.matmul %convert_element_type3A_63, %slice3A_64, %dot_general3A_65 {dimension_numbers = #tpu.dot_dimension_numbers<[1], [0], [0], [1], [0, 0, 1, 1], [], []>, transpose_lhs_hint = false} : vector<64x2048xf32>, vector<2048x16xf32>, vector<64x16xf32> -> vector<64x16xf32>
    %add3A_67 = arith.addf %add3A_53, %dot_general3A_66 : vector<64x16xf32>
    %reduce_sum3A_68 = arith.constant dense<0.000000e+00> : vector<64xf32>
    %reduce_sum3A_69 = vector.multi_reduction <add>, %convert_element_type3A_63, %reduce_sum3A_68 [1] : vector<64x2048xf32> to vector<64xf32>
    %broadcast_in_dim3A_70 = vector.shape_cast %reduce_sum3A_69 : vector<64xf32> to vector<64x1xf32>
    %add3A_71 = arith.addf %add3A_57, %broadcast_in_dim3A_70 : vector<64x1xf32>
    %slice3A_72 = vector.extract_strided_slice %get3A_16 {offsets = [4, 0], sizes = [1, 2048], strides = [1, 1]} : vector<8x2048xi32> to vector<1x2048xi32>
    %eq3A_73 = vector.broadcast %slice3A_72 : vector<1x2048xi32> to vector<64x2048xi32>
    %eq3A_74 = vector.broadcast %iota3A : vector<64x1xi32> to vector<64x2048xi32>
    %eq3A_75 = arith.cmpi eq, %eq3A_73, %eq3A_74 : vector<64x2048xi32>
    %convert_element_type3A_76 = arith.extui %eq3A_75 : vector<64x2048xi1> to vector<64x2048xi32>
    %convert_element_type3A_77 = arith.sitofp %convert_element_type3A_76 : vector<64x2048xi32> to vector<64x2048xf32>
    %slice3A_78 = vector.extract_strided_slice %max3A_13 {offsets = [0, 64], sizes = [2048, 16], strides = [1, 1]} : vector<2048x128xf32> to vector<2048x16xf32>
    %dot_general3A_79 = arith.constant dense<0.000000e+00> : vector<64x16xf32>
    %dot_general3A_80 = tpu.matmul %convert_element_type3A_77, %slice3A_78, %dot_general3A_79 {dimension_numbers = #tpu.dot_dimension_numbers<[1], [0], [0], [1], [0, 0, 1, 1], [], []>, transpose_lhs_hint = false} : vector<64x2048xf32>, vector<2048x16xf32>, vector<64x16xf32> -> vector<64x16xf32>
    %add3A_81 = arith.addf %add3A_67, %dot_general3A_80 : vector<64x16xf32>
    %reduce_sum3A_82 = arith.constant dense<0.000000e+00> : vector<64xf32>
    %reduce_sum3A_83 = vector.multi_reduction <add>, %convert_element_type3A_77, %reduce_sum3A_82 [1] : vector<64x2048xf32> to vector<64xf32>
    %broadcast_in_dim3A_84 = vector.shape_cast %reduce_sum3A_83 : vector<64xf32> to vector<64x1xf32>
    %add3A_85 = arith.addf %add3A_71, %broadcast_in_dim3A_84 : vector<64x1xf32>
    %slice3A_86 = vector.extract_strided_slice %get3A_16 {offsets = [5, 0], sizes = [1, 2048], strides = [1, 1]} : vector<8x2048xi32> to vector<1x2048xi32>
    %eq3A_87 = vector.broadcast %slice3A_86 : vector<1x2048xi32> to vector<64x2048xi32>
    %eq3A_88 = vector.broadcast %iota3A : vector<64x1xi32> to vector<64x2048xi32>
    %eq3A_89 = arith.cmpi eq, %eq3A_87, %eq3A_88 : vector<64x2048xi32>
    %convert_element_type3A_90 = arith.extui %eq3A_89 : vector<64x2048xi1> to vector<64x2048xi32>
    %convert_element_type3A_91 = arith.sitofp %convert_element_type3A_90 : vector<64x2048xi32> to vector<64x2048xf32>
    %slice3A_92 = vector.extract_strided_slice %max3A_13 {offsets = [0, 80], sizes = [2048, 16], strides = [1, 1]} : vector<2048x128xf32> to vector<2048x16xf32>
    %dot_general3A_93 = arith.constant dense<0.000000e+00> : vector<64x16xf32>
    %dot_general3A_94 = tpu.matmul %convert_element_type3A_91, %slice3A_92, %dot_general3A_93 {dimension_numbers = #tpu.dot_dimension_numbers<[1], [0], [0], [1], [0, 0, 1, 1], [], []>, transpose_lhs_hint = false} : vector<64x2048xf32>, vector<2048x16xf32>, vector<64x16xf32> -> vector<64x16xf32>
    %add3A_95 = arith.addf %add3A_81, %dot_general3A_94 : vector<64x16xf32>
    %reduce_sum3A_96 = arith.constant dense<0.000000e+00> : vector<64xf32>
    %reduce_sum3A_97 = vector.multi_reduction <add>, %convert_element_type3A_91, %reduce_sum3A_96 [1] : vector<64x2048xf32> to vector<64xf32>
    %broadcast_in_dim3A_98 = vector.shape_cast %reduce_sum3A_97 : vector<64xf32> to vector<64x1xf32>
    %add3A_99 = arith.addf %add3A_85, %broadcast_in_dim3A_98 : vector<64x1xf32>
    %slice3A_100 = vector.extract_strided_slice %get3A_16 {offsets = [6, 0], sizes = [1, 2048], strides = [1, 1]} : vector<8x2048xi32> to vector<1x2048xi32>
    %eq3A_101 = vector.broadcast %slice3A_100 : vector<1x2048xi32> to vector<64x2048xi32>
    %eq3A_102 = vector.broadcast %iota3A : vector<64x1xi32> to vector<64x2048xi32>
    %eq3A_103 = arith.cmpi eq, %eq3A_101, %eq3A_102 : vector<64x2048xi32>
    %convert_element_type3A_104 = arith.extui %eq3A_103 : vector<64x2048xi1> to vector<64x2048xi32>
    %convert_element_type3A_105 = arith.sitofp %convert_element_type3A_104 : vector<64x2048xi32> to vector<64x2048xf32>
    %slice3A_106 = vector.extract_strided_slice %max3A_13 {offsets = [0, 96], sizes = [2048, 16], strides = [1, 1]} : vector<2048x128xf32> to vector<2048x16xf32>
    %dot_general3A_107 = arith.constant dense<0.000000e+00> : vector<64x16xf32>
    %dot_general3A_108 = tpu.matmul %convert_element_type3A_105, %slice3A_106, %dot_general3A_107 {dimension_numbers = #tpu.dot_dimension_numbers<[1], [0], [0], [1], [0, 0, 1, 1], [], []>, transpose_lhs_hint = false} : vector<64x2048xf32>, vector<2048x16xf32>, vector<64x16xf32> -> vector<64x16xf32>
    %add3A_109 = arith.addf %add3A_95, %dot_general3A_108 : vector<64x16xf32>
    %reduce_sum3A_110 = arith.constant dense<0.000000e+00> : vector<64xf32>
    %reduce_sum3A_111 = vector.multi_reduction <add>, %convert_element_type3A_105, %reduce_sum3A_110 [1] : vector<64x2048xf32> to vector<64xf32>
    %broadcast_in_dim3A_112 = vector.shape_cast %reduce_sum3A_111 : vector<64xf32> to vector<64x1xf32>
    %add3A_113 = arith.addf %add3A_99, %broadcast_in_dim3A_112 : vector<64x1xf32>
    %slice3A_114 = vector.extract_strided_slice %get3A_16 {offsets = [7, 0], sizes = [1, 2048], strides = [1, 1]} : vector<8x2048xi32> to vector<1x2048xi32>
    %eq3A_115 = vector.broadcast %slice3A_114 : vector<1x2048xi32> to vector<64x2048xi32>
    %eq3A_116 = vector.broadcast %iota3A : vector<64x1xi32> to vector<64x2048xi32>
    %eq3A_117 = arith.cmpi eq, %eq3A_115, %eq3A_116 : vector<64x2048xi32>
    %convert_element_type3A_118 = arith.extui %eq3A_117 : vector<64x2048xi1> to vector<64x2048xi32>
    %convert_element_type3A_119 = arith.sitofp %convert_element_type3A_118 : vector<64x2048xi32> to vector<64x2048xf32>
    %slice3A_120 = vector.extract_strided_slice %max3A_13 {offsets = [0, 112], sizes = [2048, 16], strides = [1, 1]} : vector<2048x128xf32> to vector<2048x16xf32>
    %dot_general3A_121 = arith.constant dense<0.000000e+00> : vector<64x16xf32>
    %dot_general3A_122 = tpu.matmul %convert_element_type3A_119, %slice3A_120, %dot_general3A_121 {dimension_numbers = #tpu.dot_dimension_numbers<[1], [0], [0], [1], [0, 0, 1, 1], [], []>, transpose_lhs_hint = false} : vector<64x2048xf32>, vector<2048x16xf32>, vector<64x16xf32> -> vector<64x16xf32>
    %add3A_123 = arith.addf %add3A_109, %dot_general3A_122 : vector<64x16xf32>
    %reduce_sum3A_124 = arith.constant dense<0.000000e+00> : vector<64xf32>
    %reduce_sum3A_125 = vector.multi_reduction <add>, %convert_element_type3A_119, %reduce_sum3A_124 [1] : vector<64x2048xf32> to vector<64xf32>
    %broadcast_in_dim3A_126 = vector.shape_cast %reduce_sum3A_125 : vector<64xf32> to vector<64x1xf32>
    %add3A_127 = arith.addf %add3A_113, %broadcast_in_dim3A_126 : vector<64x1xf32>
    %max3A_128 = arith.constant 1.000000e+00 : f32
    %max3A_129 = vector.broadcast %max3A_128 : f32 to vector<64x1xf32>
    %max3A_130 = arith.maximumf %add3A_127, %max3A_129 : vector<64x1xf32>
    %div3A = vector.broadcast %max3A_130 : vector<64x1xf32> to vector<64x16xf32>
    %div3A_131 = arith.divf %add3A_123, %div3A : vector<64x16xf32>
    %max3A_132 = arith.constant 0.000000e+00 : f32
    %max3A_133 = vector.broadcast %max3A_132 : f32 to vector<64x16xf32>
    %max3A_134 = arith.maximumf %div3A_131, %max3A_133 : vector<64x16xf32>
    %get3A_135 = arith.constant 0 : index
    %get3A_136 = arith.constant 0 : index
    %get3A_137 = vector.load %arg4[%get3A_135, %get3A_136] : memref<16x10xf32, #tpu.memory_space<vmem>>, vector<16x10xf32>
    %dot_general3A_138 = arith.constant dense<0.000000e+00> : vector<64x10xf32>
    %dot_general3A_139 = tpu.matmul %max3A_134, %get3A_137, %dot_general3A_138 {dimension_numbers = #tpu.dot_dimension_numbers<[1], [0], [0], [1], [0, 0, 1, 1], [], []>, transpose_lhs_hint = false} : vector<64x16xf32>, vector<16x10xf32>, vector<64x10xf32> -> vector<64x10xf32>
    %get3A_140 = arith.constant 0 : index
    %get3A_141 = arith.constant 0 : index
    %get3A_142 = vector.load %arg5[%get3A_140, %get3A_141] : memref<1x10xf32, #tpu.memory_space<vmem>>, vector<1x10xf32>
    %add3A_143 = vector.broadcast %get3A_142 : vector<1x10xf32> to vector<64x10xf32>
    %add3A_144 = arith.addf %dot_general3A_139, %add3A_143 : vector<64x10xf32>
    %swap3A = arith.constant 0 : index
    %swap3A_145 = arith.constant 0 : index
    %swap3A_146 = vector.load %arg6[%swap3A, %swap3A_145] : memref<64x10xf32, #tpu.memory_space<vmem>>, vector<64x10xf32>
    tpu.vector_store %arg6[%swap3A, %swap3A_145], %add3A_144 {strides = array<i32>} : memref<64x10xf32, #tpu.memory_space<vmem>>, vector<64x10xf32>,
    return
  }
}

</mosaic_0001>

<sc_bundles>
// kernel: kernel.5.cloned.1.call-start
scs
__scs_entry_jumppad:
0x0: {  	(pc) =	sbr.rel $0x88, $3  }
0x1: {  	(tag) =	ssettag $0x0;
	lr =	simm.s32 $0x1  }
0x2: {  	[smem:$0x3F99] =	sst lr;
	_ =	strace $0xD0000000  }
0x3: {  	_ = 	snop  }
0x4: {  	_ = 	snop  }
0x5: {  	_ = 	snop  }
0x6: {  	_ = 	snop  }
0x7: {  	_ = 	snop  }
__scs_overlays_trampoline_lowered:
0x8: {  	[smem:$0x3FA8] =	sst s0  }
0x9: {  	[smem:$0x3FA9] =	sst s1  }
0xa: {  	[smem:$0x3FAA] =	sst s2  }
0xb: {  	[smem:$0x3FAB] =	sst s3  }
0xc: {  	[smem:$0x3FAC] =	sst s4  }
0xd: {  	[smem:$0x3FAD] =	sst s5  }
0xe: {  	[smem:$0x3FAE] =	sst s6  }
0xf: {  	[smem:$0x3FAF] =	sst s7  }
0x10: {  	[smem:$0x3FB0] =	sst s8  }
0x11: {  	[smem:$0x3FB1] =	sst s9;
	s0 =	simm.s32 @!p0 $0x0  }
0x12: {  	s1 =	sld [smem:$0x3F97];
	s0 =	simm.s32 @p0 $0x1  }
0x13: {  	[smem:$0x3FB2] =	sst s0;
	s0 =	simm.s32 @!p1 $0x0  }
0x14: {  	s2 =	sld [smem:$0x3F96];
	s0 =	simm.s32 @p1 $0x1  }
0x15: {  	[smem:$0x3FB3] =	sst s0;
	s0 =	simm.s32 @!p2 $0x0  }
0x16: {  	s3 =	sld [smem:$0x3FDB];
	s0 =	simm.s32 @p2 $0x1  }
0x17: {  	s4 =	simm.s32 $0x1BF5;
	[smem:$0x3FB5] =	sst s0  }
0x18: {  	s0 =	sld [smem:$0x3F98];
	_ =	swait.ge [sflag:s4], $0x0  }
0x19: {  	s7 =	sld [smem:$0x3F99]  }
0x1a: {  	s8 =	sadd.s32 $0xFFFFE003, lr  }
0x1b: {  	s9 =	sadd.s32 $0xFFFFFEF7, lr;
	s5 =	simm.s32 $0xFFFFFFFF;
	p2 =	slt.u32 s8, $0xFFFFF086  }
0x1c: {  	p1 =	slt.u32 s9, $0xF7A;
	s5 =	simm.s32 @!p2 $0x0  }
0x1d: {  	s5 =	simm.s32 @p1 $0x1;
	p0 =	seq.s32 s7, s2  }
0x1e: {  	s7 =	smul.u32 @!p0 $0xF7A, s2;
	p2 =	seq.s32 @!p0 s5, $0x0  }
0x1f: {  	s9 =	smul.u32 $0xF7A, s1;
	s8 =	simm.s32 @!p0 $0x1BF5;
	p2 =	por !p2, p0  }
0x20: {  	[sflag:s8] =	ssyncset.s32 @!p0 $0xFFFFF086;
	s6 =	sadd.s32 @!p0 s3, s7;
	s7 =	simm.s32 @!p0 $0x108  }
0x21: {  	s3 =	sadd.s32 s3, s9;
	s6 =	sadd.s32 @!p0 $0x88, s6;
	s7 =	simm.s32 @p2 $0x1082  }
0x22: {  	[simem:s7], [sflag:s8] =	dma.local @!p0 [hbm:s6], $0xF7A  }
0x23: {  	s9 =	sor.u32 $0xD0000000, s2;
	s6 =	simm.s32 $0x108;
	_ =	swait.ge @!p0 [sflag:s8], $0x0  }
0x24: {  	s3 =	sadd.s32 $0x88, s3;
	s6 =	simm.s32 @!p1 $0x1082;
	[sflag:s4] =	ssyncset.s32 $0xFFFFF086  }
0x25: {  	[simem:s6], [sflag:s4] =	dma.local [hbm:s3], $0xF7A  }
0x26: {  	[smem:$0x3F99] =	sst s1;
	(tag) =	ssettag s2;
	_ =	strace s9  }
0x27: {  	s1 =	sld [smem:$0x3FA9]  }
0x28: {  	s2 =	sld [smem:$0x3FAA]  }
0x29: {  	s4 =	sld [smem:$0x3FAC]  }
0x2a: {  	p0 =	seq.s32 s5, $0x0;
	s5 =	sld [smem:$0x3FAD]  }
0x2b: {  	s6 =	sld [smem:$0x3FAE]  }
0x2c: {  	s7 =	sld [smem:$0x3FAF]  }
0x2d: {  	s3 =	simm.s32 $0x108;
	s8 =	sld [smem:$0x3FB0]  }
0x2e: {  	s3 =	simm.s32 @!p0 $0x1082;
	s9 =	sld [smem:$0x3FB1]  }
0x2f: {  	lr =	sadd.s32 s0, s3;
	s0 =	sld [smem:$0x3FA8]  }
0x30: {  	s3 =	sld [smem:$0x3FAB]  }
0x31: {  	[smem:$0x3FB4] =	sst s10  }
0x32: {  	s10 =	sld [smem:$0x3FB2];
	_ =	sdelay $0x3  }
0x33: {  	p0 =	seq.s32 s10, $0x1;
	s10 =	sld [smem:$0x3FB4];
	_ =	sdelay $0x3  }
0x34: {  	[smem:$0x3FB4] =	sst s10  }
0x35: {  	s10 =	sld [smem:$0x3FB3];
	_ =	sdelay $0x3  }
0x36: {  	p1 =	seq.s32 s10, $0x1;
	s10 =	sld [smem:$0x3FB4];
	_ =	sdelay $0x3  }
0x37: {  	[smem:$0x3FB4] =	sst s10  }
0x38: {  	s10 =	sld [smem:$0x3FB5]  }
0x39: {  	_ = 	snop;
	(pc) =	sbr.ind lr, $3  }
0x3a: {  	_ = 	snop  }
0x3b: {  	_ = 	snop  }
0x3c: {  	p2 =	seq.s32 s10, $0x1;
	s10 =	sld [smem:$0x3FB4]  }
0x3d: {  	_ =	shalt  }
0x3e: {  	_ =	shalt  }
0x3f: {  	_ =	shalt  }
0x40: {  	_ =	shalt  }
0x41: {  	_ =	shalt  }
0x42: {  	_ =	shalt  }
0x43: {  	_ =	shalt  }
0x44: {  	_ =	shalt  }
0x45: {  	_ =	shalt  }
0x46: {  	_ =	shalt  }
0x47: {  	_ =	shalt  }
0x48: {  	_ =	shalt  }
0x49: {  	_ =	shalt  }
0x4a: {  	_ =	shalt  }
0x4b: {  	_ =	shalt  }
0x4c: {  	_ =	shalt  }
0x4d: {  	_ =	shalt  }
0x4e: {  	_ =	shalt  }
0x4f: {  	_ =	shalt  }
0x50: {  	_ =	shalt  }
0x51: {  	_ =	shalt  }
0x52: {  	_ =	shalt  }
0x53: {  	_ =	shalt  }
0x54: {  	_ =	shalt  }
0x55: {  	_ =	shalt  }
0x56: {  	_ =	shalt  }
0x57: {  	_ =	shalt  }
0x58: {  	_ =	shalt  }
0x59: {  	_ =	shalt  }
0x5a: {  	_ =	shalt  }
0x5b: {  	_ =	shalt  }
0x5c: {  	_ =	shalt  }
0x5d: {  	_ =	shalt  }
0x5e: {  	_ =	shalt  }
0x5f: {  	_ =	shalt  }
0x60: {  	_ =	shalt  }
0x61: {  	_ =	shalt  }
0x62: {  	_ =	shalt  }
0x63: {  	_ =	shalt  }
0x64: {  	_ =	shalt  }
0x65: {  	_ =	shalt  }
0x66: {  	_ =	shalt  }
0x67: {  	_ =	shalt  }
0x68: {  	_ =	shalt  }
0x69: {  	_ =	shalt  }
0x6a: {  	_ =	shalt  }
0x6b: {  	_ =	shalt  }
0x6c: {  	_ =	shalt  }
0x6d: {  	_ =	shalt  }
0x6e: {  	_ =	shalt  }
0x6f: {  	_ =	shalt  }
0x70: {  	_ =	shalt  }
0x71: {  	_ =	shalt  }
0x72: {  	_ =	shalt  }
0x73: {  	_ =	shalt  }
0x74: {  	_ =	shalt  }
0x75: {  	_ =	shalt  }
0x76: {  	_ =	shalt  }
0x77: {  	_ =	shalt  }
0x78: {  	_ =	shalt  }
0x79: {  	_ =	shalt  }
0x7a: {  	_ =	shalt  }
0x7b: {  	_ =	shalt  }
0x7c: {  	_ =	shalt  }
0x7d: {  	_ =	shalt  }
0x7e: {  	_ =	shalt  }
0x7f: {  	_ =	shalt  }
0x80: {  	_ =	shalt  }
0x81: {  	_ =	shalt  }
0x82: {  	_ =	shalt  }
0x83: {  	_ =	shalt  }
0x84: {  	_ =	shalt  }
0x85: {  	_ =	shalt  }
0x86: {  	_ =	shalt  }
0x87: {  	_ =	shalt  }
.Lfunc_end0:
.L_simem_size_0:
called_computation_lowered:
.L_overlay_start_0:
0x88: {  	s2 =	sld [smem:$0x3FD9]  }
0x89: {  	s3 =	sld [smem:$0x3FFE];
	_ =	sdelay $0x1  }
0x8a: {  	s1 =	srdreg.scid  }
0x8b: {  	s0 =	sand.u32 $0x1, s1  }
0x8c: {  	s16 =	sshll.u32 s0, $0xA;
	s2 =	sadd.s32 s3, s2  }
0x8d: {  	s2 =	sadd.s32 s2, s16  }
0x8e: {  	[smem:$0x3FC0] =	sst s2  }
0x8f: {  	_ = 	snop  }
0x90: {  	(tm) =	ssettm $0x1  }
0x91: {  	s17 =	sld [smem:$0x3FFB];
	_ =	sdelay $0x3  }
0x92: {  	_ =	strace s17  }
0x93: {  	s2 =	sld [smem:$0x3FFC];
	_ =	sdelay $0x3  }
0x94: {  	_ =	strace s2  }
0x95: {  	s2 =	sld [smem:$0x3FFD];
	_ =	sdelay $0x3  }
0x96: {  	_ =	strace s2  }
0x97: {  	_ =	strace $0x8FFFFFFF  }
0x98: {  	s18 =	sld [smem:$0x3FDB];
	_ =	sdelay $0x1  }
0x99: {  	s19 =	simm.s32 $_scs_section_size  }
0x9a: {  	s4 =	simm.s32 $_size__tile_overlayer_lowered;
	s5 =	simm.s32 $_tile_overlayer_lowered  }
0x9b: {  	s22 =	simm.s32 $0x1BFF;
	s21 =	sshll.u32 s5, $0x1;
	s2 =	sadd.s32 s19, s18  }
0x9c: {  	s6 =	simm.s32 $0x0;
	s20 =	sshll.u32 s4, $0x1;
	s4 =	sadd.s32 s21, s2  }
0x9d: {  	[timem:s6], [sflag:s22] =	dma.local [hbm:s4], s20  }
0x9e: {  	_ =	swait.ge [sflag:s22], s20  }
0x9f: {  	s3 =	ssub.s32 $0x0, s20;
	[sflag:s22] =	ssyncset.done $0x0  }
0xa0: {  	[sflag:s22] =	ssyncadd.s32 s3;
	_ =	sdelay $0x1  }
0xa1: {  	s23 =	simm.s32 $0x1B8B  }
0xa2: {  	_ =	swait.ge [sflag:s23], $0x1  }
0xa3: {  	[sflag:s23] =	ssyncset.done $0x0  }
0xa4: {  	s25 =	simm.s32 $0x1B8E;
	s24 =	sld [smem:$0x3FFE];
	[sflag:s23] =	ssyncadd.s32 $0xFFFFFFFF  }
0xa5: {  	s26 =	simm.s32 $execute0_lowered;
	[smem:$0x3FD2] =	sst s25  }
0xa6: {  	s4 =	sshll.u32 s26, $0x1;
	_ =	strace $0x80000046;
	[dreg:$0x1] =	wrdreg $0xFFFFFFFF  }
0xa7: {  	s28 =	simm.s32 $_size_execute0_lowered;
	s2 =	sadd.s32 s2, s4;
	[dreg:$0x0] =	wrdreg $0x0  }
0xa8: {  	s4 =	sshll.u32 s28, $0x1;
	[dreg:$0x2] =	wrdreg s2  }
0xa9: {  	[dreg:$0x3] =	wrdreg s4  }
0xaa: {  	[dreg:$0x4] =	wrdreg $0xC0  }
0xab: {  	_ =	task [dreg:s6], $0x5FFFF  }
0xac: {  	[dreg:$0x1] =	wrdreg $0xFFFFFFFF  }
0xad: {  	[dreg:$0x0] =	wrdreg $0x60  }
0xae: {  	[dreg:$0x2] =	wrdreg s24  }
0xaf: {  	[dreg:$0x3] =	wrdreg $0xDF000  }
0xb0: {  	[dreg:$0x4] =	wrdreg $0x9F000  }
0xb1: {  	[dreg:$0x5] =	wrdreg $0x9  }
0xb2: {  	_ =	task.clear_ibuf [dreg:s6], $0x6FFFF;
	_ =	strace $0x90000046  }
0xb3: {  	s29 =	simm.s32 $0x9;
	_ =	strace $0x80000048  }
0xb4: {  	_ =	swait.ge [sflag:s29], $0x1  }
0xb5: {  	[sflag:s29] =	ssyncadd.s32 $0xFFFFFFFF  }
0xb6: {  	_ =	strace $0x90000048  }
0xb7: {  	_ =	sfence  }
0xb8: {  	s30 =	sld [smem:$0x0];
	_ =	sdelay $0x2  }
0xb9: {  	s31 =	sshll.u32 s1, $0xD;
	s1 =	sshrl.u32 s1, $0x2  }
0xba: {  	s3 =	sand.u32 $0x4000, s31;
	s1 =	sadd.s32 s1, s30  }
0xbb: {  	s0 =	sor.u32 s3, s0;
	s1 =	sshll.u32 s1, $0x11  }
0xbc: {  	s0 =	sor.u32 s1, s0  }
0xbd: {  	s0 =	sadd.s32 $0x8F2B, s0  }
0xbe: {  	[sflag:s0] =	ssyncadd.remote.s32 $0x1  }
0xbf: {  	_ =	sfence.sel $0xFFFF  }
0xc0: {  	[dreg:$0x0] =	wrdreg $0xFFFFFFFF;
	(pc) =	sbr.abs _section_cstart, $3  }
0xc1: {  	[dreg:$0x1] =	wrdreg $0xFFFFFFFF  }
0xc2: {  	_ =	task.clear_ibuf [dreg:s6], $0x2FFFF;
	_ =	strace $0x9FFFFFFF  }
0xc3: {  	(tm) =	ssettm $0x7FFFFFFF  }
tec
execute0_lowered:
.L_overlay_start_1:
0x0: {  	(tag) =	ssettag $0x1  }
0x1: {  	s5 =	rddreg [dreg:$0x0]  }
0x2: {  	s1 =	rddreg [dreg:$0x1]  }
0x3: {  	s3 =	rddreg [dreg:$0x2]  }
0x4: {  	s0 =	rddreg [dreg:$0x3]  }
0x5: {  	s4 =	simm.s32 $0x0;
	s2 =	stileid.u32;
	s7 =	srdreg.scid  }
0x6: {  	s17 =	simm.s32 $0x2780;
	s18 =	simm.s32 $0x80;
	s19 =	simm.s32 $0x4F00  }
0x7: {  	s20 =	simm.s32 $0x1;
	s21 =	simm.s32 $0x5700;
	s22 =	simm.s32 $0x2  }
0x8: {  	s23 =	simm.s32 $0x2680;
	s24 =	simm.s32 $0x4D80;
	s25 =	simm.s32 $0x4E00  }
0x9: {  	s26 =	simm.s32 $0x0;
	[smem:$0x7FF] =	sst s4;
	s6 =	sshll.u32 s2, $0xB  }
0xa: {  	s10 =	sadd.s32 $0x1A00, s5;
	s7 =	sand.u32 $0x1, s7;
	s8 =	sshll.u32 s2, $0xE  }
0xb: {  	s11 =	sshll.u32 s2, $0x1;
	s30 =	sshll.u32 s2, $0x6;
	p0 =	sgt.u32 s2, $0x1  }
0xc: {  	_ =	strace $0x80000047;
	s6 =	sadd.s32 s6, s5;
	s9 =	sshll.u32 s7, $0x12  }
0xd: {  	s12 =	ssub.s32 $0x2, s7;
	s11 =	sor.u32 s7, s11;
	s16 =	sadd.s32 s8, s1  }
0xe: {  	s9 =	sor.u32 s8, s9;
	s29 =	sshrl.u32 s12, $0x1;
	s13 =	smul.u32 $0x2700, s11  }
0xf: {  	s11 =	sshll.u32 s11, $0x4;
	s8 =	sadd.s32 s8, s3;
	s28 =	sshrl.u32 s9, $0x3  }
0x10: {  	s15 =	ssub.s32 s12, s29;
	s11 =	sadd.s32 s11, s10;
	s14 =	sadd.s32 s28, s5  }
0x11: {  	s5 =	sadd.s32 $0x15400, s6;
	s31 =	sshrl.u32 s13, $0x3;
	s6 =	sor.u32 $0x1C03, s30  }
0x12: {  	s13 =	smax.u32 s15, $0x1;
	s15 =	simm.s32 $0x3;
	s7 =	sadd.s32 s10, s31  }
0x13: {  	s10 =	sadd.s32 $0x9C00, s11;
	s11 =	sadd.s32 $0x13840, s11;
	s12 =	sadd.s32 $0x1D400, s14  }
0x14: {  	v0 =	vimm.f32 $0.0e+00;
	s14 =	sshrl.u32 s16, $0x3;
	s16 =	simm.s32 $0x5F00;
	s9 =	sadd.s32 $0x9C40, s7  }
.LBB2_1:
0x15: {  	[spmem:s14], [sflag:s6] =	dma.local [hbm:s5], $0x800  }
0x16: {  	_ =	swait.ge [sflag:s15], $0x800  }
0x17: {  	[sflag:s15] =	ssyncset.done $0x0  }
0x18: {  	s28 =	simm.s32 $0x40;
	s29 =	simm.s32 $0x0;
	[sflag:s15] =	ssyncadd.s32 $0xFFFFF800  }
.LBB2_2:
0x19: {  	p1 =	sne.s32 s28, $0xFFC0;
	[tilespmem:s29+$0x5F00] =	vst v0;
	s29 =	smov.u32 s28;
	s28 =	sadd.s32 $0x40, s28  }
.Ltmp0:
0x1a: {  	(pc) =	sbr.rel @p1 .LBB2_2-.Ltmp0, $2  }
0x1b: {  	_ =	sdelay $0x2  }
0x1c: {  	s29 =	sshra.s32 s29, $0x2  }
0x1d: {  	[tilespmem:s29+$0x5F00] =	vst v0  }
0x1e: {  	[spmem:s8] =	stream.linear.scatter [tilespmem:s16], [sflag:$0x3], $0x4000, $0x38;
	[tilespmem:$0x11F00] =	vst v63  }
0x1f: {  	_ =	swait.ge [sflag:s15], $0x4000  }
0x20: {  	[sflag:s15] =	ssyncset.done $0x0  }
0x21: {  	[sflag:s15] =	ssyncadd.s32 $0xFFFFC000  }
0x22: {  	[bflag:$0x0] =	sbarrier.arrive $0xFFFF  }
0x23: {  	[tilespmem:s4], [sflag:$0x3] =	stream.linear.gather [hbm4b:s7+s4], $0x2700, $0x38;
	[tilespmem:$0x11F00] =	vst v63  }
0x24: {  	_ =	swait.ge [sflag:s15], $0x2700  }
0x25: {  	[sflag:s15] =	ssyncset.done $0x0  }
0x26: {  	[sflag:s15] =	ssyncadd.s32 $0xFFFFD900  }
0x27: {  	[tilespmem:s17], [sflag:$0x3] =	stream.linear.gather [hbm4b:s9+s4], $0x2700, $0x38;
	[tilespmem:$0x11F00] =	vst v63  }
0x28: {  	_ =	swait.ge [sflag:s15], $0x2700  }
0x29: {  	[sflag:s15] =	ssyncset.done $0x0  }
0x2a: {  	s28 =	simm.s32 @!p0 $0x0;
	s29 =	simm.s32 @!p0 $0x2700;
	[sflag:s15] =	ssyncadd.s32 $0xFFFFD900  }
0x2b: {  	[tilespmem:s29], [sflag:$0x3] =	stream.linear.gather @!p0 [hbm4b:s10+s28], $0x80, $0x38;
	[tilespmem:$0x11F00] =	vst v63  }
0x2c: {  	s29 =	simm.s32 @!p0 $0x3  }
0x2d: {  	_ =	swait.ge @!p0 [sflag:s29], $0x80  }
0x2e: {  	[sflag:s29] =	ssyncset.done @!p0 $0x0  }
0x2f: {  	s30 =	simm.s32 @!p0 $0x4E80;
	[sflag:s29] =	ssyncadd.s32 @!p0 $0xFFFFFF80  }
0x30: {  	[tilespmem:s30], [sflag:$0x3] =	stream.linear.gather @!p0 [hbm4b:s11+s28], $0x80, $0x38;
	[tilespmem:$0x11F00] =	vst v63  }
0x31: {  	_ =	swait.ge @!p0 [sflag:s29], $0x80  }
0x32: {  	[sflag:s29] =	ssyncset.done @!p0 $0x0  }
0x33: {  	s28 =	simm.s32 $0x0;
	[sflag:s29] =	ssyncadd.s32 @!p0 $0xFFFFFF80  }
0x34: {  	[tilespmem:s19], [sflag:$0x1] =	stream.indirect.gather [spmem:s1], $0x10, s28, s18, $0xb8;
	[tilespmem:$0x11F00] =	vst v63  }
0x35: {  	_ =	swait.ge [sflag:s20], $0x800  }
0x36: {  	[sflag:s20] =	ssyncset.done $0x0  }
0x37: {  	s28 =	simm.s32 $0x80;
	[sflag:s20] =	ssyncadd.s32 $0xFFFFF800  }
0x38: {  	[tilespmem:s21], [sflag:$0x2] =	stream.indirect.gather [spmem:s1], $0x10, s28, s18, $0xb8;
	[tilespmem:$0x11F00] =	vst v63  }
0x39: {  	s28 =	simm.s32 $0x2780  }
0x3a: {  	[spmem:s3] =	stream.indirect.scatter.add.f32 [tilespmem:s19], [sflag:$0x3], $0x10, s28, s18, $0xb8;
	[tilespmem:$0x11F00] =	vst v63  }
0x3b: {  	_ =	swait.ge [sflag:s15], $0x800  }
0x3c: {  	[sflag:s15] =	ssyncset.done $0x0  }
0x3d: {  	[sflag:s15] =	ssyncadd.s32 $0xFFFFF800  }
0x3e: {  	_ =	swait.ge [sflag:s22], $0x800  }
0x3f: {  	[sflag:s22] =	ssyncset.done $0x0  }
0x40: {  	s28 =	simm.s32 $0x100;
	[sflag:s22] =	ssyncadd.s32 $0xFFFFF800  }
0x41: {  	[tilespmem:s19], [sflag:$0x1] =	stream.indirect.gather [spmem:s1], $0x10, s28, s18, $0xb8;
	[tilespmem:$0x11F00] =	vst v63  }
0x42: {  	s28 =	simm.s32 $0x2800  }
0x43: {  	[spmem:s3] =	stream.indirect.scatter.add.f32 [tilespmem:s21], [sflag:$0x3], $0x10, s28, s18, $0xb8;
	[tilespmem:$0x11F00] =	vst v63  }
0x44: {  	_ =	swait.ge [sflag:s15], $0x800  }
0x45: {  	s28 =	simm.s32 $0x400;
	[sflag:s15] =	ssyncset.done $0x0  }
.LBB2_4:
0x46: {  	p1 =	sne.s32 s28, $0x9400  }
0x47: {  	[sflag:s15] =	ssyncadd.s32 $0xFFFFF800;
	s29 =	smov.u32 s28;
	s28 =	sadd.s32 $0x400, s28  }
0x48: {  	_ = 	snop  }
0x49: {  	_ =	swait.ge [sflag:s20], $0x800  }
0x4a: {  	s29 =	sshra.s32 s29, $0x2;
	[sflag:s20] =	ssyncset.done $0x0  }
0x4b: {  	s30 =	sadd.s32 $0x80, s29;
	[sflag:s20] =	ssyncadd.s32 $0xFFFFF800  }
0x4c: {  	[tilespmem:s21], [sflag:$0x2] =	stream.indirect.gather [spmem:s1], $0x10, s30, s18, $0xb8;
	[tilespmem:$0x11F00] =	vst v63  }
0x4d: {  	s30 =	sadd.s32 $0x2780, s29  }
0x4e: {  	[spmem:s3] =	stream.indirect.scatter.add.f32 [tilespmem:s19], [sflag:$0x3], $0x10, s30, s18, $0xb8;
	[tilespmem:$0x11F00] =	vst v63  }
0x4f: {  	_ =	swait.ge [sflag:s15], $0x800  }
0x50: {  	[sflag:s15] =	ssyncset.done $0x0  }
0x51: {  	[sflag:s15] =	ssyncadd.s32 $0xFFFFF800  }
0x52: {  	_ =	swait.ge [sflag:s22], $0x800  }
0x53: {  	[sflag:s22] =	ssyncset.done $0x0  }
0x54: {  	s30 =	sadd.s32 $0x100, s29;
	[sflag:s22] =	ssyncadd.s32 $0xFFFFF800  }
0x55: {  	[tilespmem:s19], [sflag:$0x1] =	stream.indirect.gather [spmem:s1], $0x10, s30, s18, $0xb8;
	[tilespmem:$0x11F00] =	vst v63  }
.Ltmp1:
0x56: {  	_ = 	snop;
	(pc) =	sbr.rel @p1 .LBB2_4-.Ltmp1, $4  }
0x57: {  	s29 =	sadd.s32 $0x2800, s29  }
0x58: {  	[spmem:s3] =	stream.indirect.scatter.add.f32 [tilespmem:s21], [sflag:$0x3], $0x10, s29, s18, $0xb8;
	[tilespmem:$0x11F00] =	vst v63  }
0x59: {  	_ =	swait.ge [sflag:s15], $0x800  }
0x5a: {  	[sflag:s15] =	ssyncset.done $0x0  }
0x5b: {  	[sflag:s15] =	ssyncadd.s32 $0xFFFFF800  }
0x5c: {  	_ =	swait.ge [sflag:s20], $0x800  }
0x5d: {  	[sflag:s20] =	ssyncset.done $0x0  }
0x5e: {  	[sflag:s20] =	ssyncadd.s32 $0xFFFFF800  }
0x5f: {  	[tilespmem:s21], [sflag:$0x2] =	stream.indirect.gather [spmem:s1], $0x10, s23, s18, $0xb8;
	[tilespmem:$0x11F00] =	vst v63  }
0x60: {  	_ = 	snop  }
0x61: {  	[spmem:s3] =	stream.indirect.scatter.add.f32 [tilespmem:s19], [sflag:$0x3], $0x10, s24, s18, $0xb8;
	[tilespmem:$0x11F00] =	vst v63  }
0x62: {  	_ =	swait.ge [sflag:s15], $0x800  }
0x63: {  	[sflag:s15] =	ssyncset.done $0x0  }
0x64: {  	[sflag:s15] =	ssyncadd.s32 $0xFFFFF800  }
0x65: {  	_ =	swait.ge [sflag:s22], $0x800  }
0x66: {  	[sflag:s22] =	ssyncset.done $0x0  }
0x67: {  	[sflag:s22] =	ssyncadd.s32 $0xFFFFF800  }
0x68: {  	[spmem:s3] =	stream.indirect.scatter.add.f32 [tilespmem:s21], [sflag:$0x3], $0x10, s25, s18, $0xb8;
	[tilespmem:$0x11F00] =	vst v63  }
0x69: {  	_ =	swait.ge [sflag:s15], $0x800  }
0x6a: {  	s28 =	simm.s32 @!p0 $0x80;
	[sflag:s15] =	ssyncset.done $0x0  }
0x6b: {  	s29 =	simm.s32 @!p0 $0x2700;
	s30 =	simm.s32 @!p0 $0x4F00;
	[sflag:s15] =	ssyncadd.s32 $0xFFFFF800  }
0x6c: {  	[tilespmem:s30], [sflag:$0x3] =	stream.indirect.gather @!p0 [spmem:s1], $0x10, s29, s28, $0xb8;
	[tilespmem:$0x11F00] =	vst v63  }
0x6d: {  	s29 =	simm.s32 @!p0 $0x3  }
0x6e: {  	_ =	swait.ge @!p0 [sflag:s29], $0x800  }
0x6f: {  	[sflag:s29] =	ssyncset.done @!p0 $0x0  }
0x70: {  	s31 =	simm.s32 @!p0 $0x4E80;
	[sflag:s29] =	ssyncadd.s32 @!p0 $0xFFFFF800  }
0x71: {  	[spmem:s3] =	stream.indirect.scatter.add.f32 @!p0 [tilespmem:s30], [sflag:$0x3], $0x10, s31, s28, $0xb8;
	[tilespmem:$0x11F00] =	vst v63  }
0x72: {  	_ =	swait.ge @!p0 [sflag:s29], $0x800  }
0x73: {  	[sflag:s29] =	ssyncset.done @!p0 $0x0  }
0x74: {  	[sflag:s29] =	ssyncadd.s32 @!p0 $0xFFFFF800  }
0x75: {  	[bflag:$0x0] =	sbarrier.arrive $0xFFFF  }
0x76: {  	[tilespmem:s16], [sflag:$0x3] =	stream.linear.gather [spmem:s8], $0x4000, $0x38;
	[tilespmem:$0x11F00] =	vst v63  }
0x77: {  	s26 =	sadd.s32 $0x1, s26;
	_ =	swait.ge [sflag:s15], $0x4000  }
0x78: {  	p1 =	sne.s32 s26, s13;
	[sflag:s15] =	ssyncset.done $0x0  }
.Ltmp2:
0x79: {  	[sflag:s15] =	ssyncadd.s32 $0xFFFFC000;
	(pc) =	sbr.rel @p1 .LBB2_1-.Ltmp2, $4  }
0x7a: {  	[hbm4b:s12+s4] =	stream.linear.scatter [tilespmem:s16], [sflag:$0x3], $0x4000, $0x38;
	[tilespmem:$0x11F00] =	vst v63  }
0x7b: {  	_ =	swait.ge [sflag:s15], $0x4000  }
0x7c: {  	[sflag:s15] =	ssyncset.done $0x0  }
0x7d: {  	[sflag:s15] =	ssyncadd.s32 $0xFFFFC000  }
0x7e: {  	_ =	sfence.sel $0x180000  }
0x7f: {  	[bflag:$0x0] =	sbarrier.arrive $0xFFFF  }
0x80: {  	p0 =	sne.s32 s2, $0x0;
	_ =	strace $0x90000047  }
0x81: {  	s0 =	sadd.s32 @!p0 $0x100000, s0;
	[bflag:$0x2] =	sbarrier.arrive $0xFFFF  }
0x82: {  	[sflag:s0] =	ssyncadd.tile.s32 @!p0 $0x1;
	_ =	shalt  }
.Lfunc_end2:
_tile_overlayer_lowered:
.L_overlay_start_2:
0x83: {  	(tag) =	ssettag $0x2  }
0x84: {  	s0 =	rddreg [dreg:$0x0];
	s2 =	stileid.u32  }
0x85: {  	s1 =	rddreg [dreg:$0x1];
	p0 =	sne.s32 s2, $0x0  }
0x86: {  	s3 =	rddreg [dreg:$0x2];
	[bflag:$0x3] =	sbarrier.arrive $0xFFFF;
	s2 =	simm.s32 @!p0 $0x1C03  }
0x87: {  	[timem:s3], [sflag:s2] =	dma.local @!p0 [hbm:s0], s1  }
0x88: {  	s0 =	simm.s32 @!p0 $0x3  }
0x89: {  	_ =	swait.ge @!p0 [sflag:s0], s1  }
0x8a: {  	s1 =	ssub.s32 @!p0 $0x0, s1;
	[sflag:s0] =	ssyncset.done @!p0 $0x0  }
0x8b: {  	[sflag:s0] =	ssyncadd.s32 @!p0 s1  }
0x8c: {  	[bflag:$0x3] =	sbarrier.arrive $0xFFFF  }
0x8d: {  	_ =	shalt  }

</sc_bundles>
